<compile_context>
chip_gen: v7x
topology: tpu7x:2x2x1
jax: 0.10.2.dev20260603
libtpu: 0.0.44.dev20260713+nightly
codegen_flags: <defaults>
</compile_context>

<pallas_src>
import functools

import jax
import jax.numpy as jnp
from jax import lax
from jax.experimental import pallas as pl
from jax.experimental.pallas import tpu as pltpu
from jax.experimental.pallas import tpu_sc as plsc

N = 10000
NPAD = 10240
E = 320000
D = 128
NC, NS = 2, 16
NW = NC * NS
RPT = NPAD // NS

EW = E // NW
CH_D = 125
NCH_D = EW // CH_D
CH = 100
NCH = EW // CH

_mesh = plsc.VectorSubcoreMesh(core_axis_name="c", subcore_axis_name="s")


@functools.partial(
    pl.kernel,
    out_type=jax.ShapeDtypeStruct((NC, 2, NPAD), jnp.float32),
    mesh=_mesh,
    scratch_types=[
        pltpu.VMEM((NCH_D, CH_D), jnp.int32),
        pltpu.VMEM((NCH_D, CH_D), jnp.int32),
        pltpu.VMEM((128,), jnp.float32),
        pltpu.VMEM((RPT,), jnp.float32),
        pltpu.VMEM_SHARED((NPAD,), jnp.float32),
        pltpu.VMEM_SHARED((NPAD,), jnp.float32),
        pltpu.SemaphoreType.DMA,
        pltpu.SemaphoreType.DMA,
    ],
)
def _deg_kernel(ei_hbm, out_hbm, src_v, dst_v, ones_v, zero_v, ho_sh, hi_sh,
                dsem0, dsem1):
    c = lax.axis_index("c")
    s = lax.axis_index("s")
    wid = s * NC + c
    pltpu.sync_copy(ei_hbm.at[0, wid], src_v)
    pltpu.sync_copy(ei_hbm.at[1, wid], dst_v)

    def fill1(i, carry):
        ones_v[pl.ds(i * 16, 16)] = jnp.full((16,), 1.0, jnp.float32)
        return carry

    lax.fori_loop(0, 128 // 16, fill1, 0)

    def fill0(i, carry):
        zero_v[pl.ds(i * 16, 16)] = jnp.zeros((16,), jnp.float32)
        return carry

    lax.fori_loop(0, RPT // 16, fill0, 0)

    pltpu.sync_copy(zero_v, ho_sh.at[pl.ds(s * RPT, RPT)])
    pltpu.sync_copy(zero_v, hi_sh.at[pl.ds(s * RPT, RPT)])
    plsc.subcore_barrier()

    ones_ch = ones_v.at[pl.ds(0, CH_D)]

    def body(k, carry):
        pltpu.async_copy(ones_ch, ho_sh.at[src_v.at[k]], dsem0, add=True)
        pltpu.async_copy(ones_ch, hi_sh.at[dst_v.at[k]], dsem1, add=True)
        return carry

    lax.fori_loop(0, NCH_D, body, 0)

    def drain(k, carry):
        pltpu.make_async_copy(ones_ch, ho_sh.at[src_v.at[0]], dsem0).wait()
        pltpu.make_async_copy(ones_ch, hi_sh.at[dst_v.at[0]], dsem1).wait()
        return carry

    lax.fori_loop(0, NCH_D, drain, 0)
    plsc.subcore_barrier()

    pltpu.sync_copy(ho_sh.at[pl.ds(s * RPT, RPT)],
                    out_hbm.at[c, 0, pl.ds(s * RPT, RPT)])
    pltpu.sync_copy(hi_sh.at[pl.ds(s * RPT, RPT)],
                    out_hbm.at[c, 1, pl.ds(s * RPT, RPT)])


def _norm_body(deg_ref, x_ref, feat_ref, ninb_ref):
    p = deg_ref[...]
    do = p[0, 0, :N] + p[1, 0, :N]
    di = p[0, 1, :N] + p[1, 1, :N]
    no = lax.rsqrt(jnp.maximum(do, 1.0))
    ni = lax.rsqrt(jnp.maximum(di, 1.0))
    feat_ref[...] = x_ref[...] * no[:, None]
    ninb_ref[...] = jnp.broadcast_to(ni[:, None], (N, D))


_norm_call = pl.pallas_call(
    _norm_body,
    out_shape=[
        jax.ShapeDtypeStruct((N, D), jnp.float32),
        jax.ShapeDtypeStruct((N, D), jnp.float32),
    ],
)


@functools.partial(
    pl.kernel,
    out_type=jax.ShapeDtypeStruct((NC, NPAD, D), jnp.float32),
    mesh=_mesh,
    scratch_types=[
        pltpu.VMEM((NCH, CH), jnp.int32),
        pltpu.VMEM((NCH, CH), jnp.int32),
        pltpu.VMEM((2, CH, D), jnp.float32),
        pltpu.VMEM_SHARED((NPAD, D), jnp.float32),
        [pltpu.SemaphoreType.DMA] * 2,
        [pltpu.SemaphoreType.DMA] * 2,
    ],
    compiler_params=pltpu.CompilerParams(use_tc_tiling_on_sc=False),
)
def _agg_kernel(feat_hbm, ei_hbm, zc_hbm, out_hbm, src_v, dst_v, rows_v,
                agg_sh, gsems, ssems):
    c = lax.axis_index("c")
    s = lax.axis_index("s")
    wid = s * NC + c
    pltpu.sync_copy(ei_hbm.at[0, wid], src_v)
    pltpu.sync_copy(ei_hbm.at[1, wid], dst_v)

    def zc(j, carry):
        pltpu.sync_copy(zc_hbm, agg_sh.at[pl.ds(s * RPT + j * 128, 128)])
        return carry

    lax.fori_loop(0, RPT // 128, zc, 0)
    plsc.subcore_barrier()

    def start_gather(k, b):
        pltpu.async_copy(feat_hbm.at[src_v.at[k]], rows_v.at[b], gsems[b])

    def wait_gather(k, b):
        pltpu.make_async_copy(feat_hbm.at[src_v.at[k]], rows_v.at[b],
                              gsems[b]).wait()

    def start_scatter(k, b):
        pltpu.async_copy(rows_v.at[b], agg_sh.at[dst_v.at[k]], ssems[b],
                         add=True)

    def wait_scatter(b):
        pltpu.make_async_copy(rows_v.at[b], agg_sh.at[dst_v.at[0]],
                              ssems[b]).wait()

    start_gather(0, 0)

    def step(k2, carry):
        for b in range(2):
            k = k2 * 2 + b
            nb = (b + 1) % 2
            wait_gather(k, b)
            start_scatter(k, b)

            @pl.when(k + 1 < NCH)
            def _():
                @pl.when(k >= 1)
                def _():
                    wait_scatter(nb)

                start_gather(k + 1, nb)
        return carry

    lax.fori_loop(0, NCH // 2, step, 0)
    wait_scatter(0)
    wait_scatter(1)
    plsc.subcore_barrier()

    pltpu.sync_copy(agg_sh.at[pl.ds(s * RPT, RPT)],
                    out_hbm.at[c, pl.ds(s * RPT, RPT)])


def _out_body(pa_ref, ninb_ref, w_ref, b_ref, o_ref):
    agg = pa_ref[0] + pa_ref[1]
    rst = agg * ninb_ref[...]
    o_ref[...] = (
        jnp.dot(rst, w_ref[...], preferred_element_type=jnp.float32)
        + b_ref[...]
    )


_BLK = 1000
_out_call = pl.pallas_call(
    _out_body,
    grid=(N // _BLK,),
    in_specs=[
        pl.BlockSpec((NC, _BLK, D), lambda i: (0, i, 0)),
        pl.BlockSpec((_BLK, D), lambda i: (i, 0)),
        pl.BlockSpec((D, D), lambda i: (0, 0)),
        pl.BlockSpec((1, D), lambda i: (0, 0)),
    ],
    out_specs=pl.BlockSpec((_BLK, D), lambda i: (i, 0)),
    out_shape=jax.ShapeDtypeStruct((N, D), jnp.float32),
)


def kernel(x, edge_index, W, b):
    ei32 = edge_index.astype(jnp.int32)
    ei_d = ei32.reshape(2, NW, NCH_D, CH_D)
    ei_a = ei32.reshape(2, NW, NCH, CH)
    zc = jnp.zeros((128, D), jnp.float32)
    deg = _deg_kernel(ei_d)
    feat, ninb = _norm_call(deg, x)
    pagg = _agg_kernel(feat, ei_a, zc)
    return _out_call(pagg, ninb, W, b.reshape(1, D))

# --- scband reference (transcript-rebuilt; emitter-appended) ---
"""Pipeline reference for scband-gn-31361851195596 (READ-ONLY COPY).

The authoritative reference and input builder live on the scoring server;
editing this copy changes nothing except your own understanding.
"""

import jax, jax.numpy as jnp
import numpy as np

N_NODES = 10000
N_EDGES = 320000
D_IN = 128
D_OUT = 128

def setup_inputs(seed: int = 0) -> dict:
    key = jax.random.key(seed)
    k1, k2, k3, k4 = jax.random.split(key, 4)
    x = jax.random.normal(k1, (N_NODES, D_IN), dtype=jnp.float32)
    edge_index = jax.random.randint(k2, (2, N_EDGES), 0, N_NODES, dtype=jnp.int64)
    # GraphConv linear weight + bias (glorot-like init)
    W = jax.random.normal(k3, (D_IN, D_OUT), dtype=jnp.float32) * (1.0 / np.sqrt(D_IN))
    b = jnp.zeros((D_OUT,), dtype=jnp.float32)
    return {"x": x, "edge_index": edge_index, "W": W, "b": b}

def reference(x, edge_index, W, b):
    # DGL GraphConv with norm='both':
    #   h = D_in^{-1/2} * A^T * (D_out^{-1/2} * x) @ W + b
    src = edge_index[0]
    dst = edge_index[1]
    n = x.shape[0]
    ones = jnp.ones((src.shape[0],), dtype=jnp.float32)
    deg_out = jnp.zeros((n,), dtype=jnp.float32).at[src].add(ones)
    deg_in = jnp.zeros((n,), dtype=jnp.float32).at[dst].add(ones)
    norm_out = jnp.power(jnp.clip(deg_out, 1.0, None), -0.5)
    norm_in = jnp.power(jnp.clip(deg_in, 1.0, None), -0.5)
    # since in_features == out_features, aggregate first then project
    feat = x * norm_out[:, None]
    msg = jnp.take(feat, src, axis=0)                      # gather  (SparseCore)
    agg = jax.ops.segment_sum(msg, dst, num_segments=n)    # scatter-add (SparseCore)
    rst = agg * norm_in[:, None]
    out = rst @ W + b
    return out

if False:  # reference __main__ guard neutralized (emitter)
    inp = setup_inputs()
    out = reference(**inp)
    print(out.shape, out.dtype)

if __name__ == "__main__":
    import jax
    _d = setup_inputs()
    print(jax.jit(kernel)(*tuple(_d.values())))

</pallas_src>

<mosaic_0001>
#map = affine_map<(d0, d1) -> (0, 0)>
#map1 = affine_map<(d0, d1) -> (0, 0, 0, 0)>
#map2 = affine_map<(d0, d1) -> (0, 0, 0)>
module attributes {stable_mosaic.version = 14 : i64} {
  func.func @_agg_kernel(%arg0: i32, %arg1: i32, %arg2: memref<10000x128xf32, #tpu.memory_space<hbm>>, %arg3: memref<2x32x100x100xi32, #tpu.memory_space<hbm>>, %arg4: memref<128x128xf32, #tpu.memory_space<hbm>>, %arg5: memref<2x10240x128xf32, #tpu.memory_space<hbm>>, %arg6: memref<100x100xi32, #tpu.memory_space<vmem>>, %arg7: memref<100x100xi32, #tpu.memory_space<vmem>>, %arg8: memref<2x100x128xf32, #tpu.memory_space<vmem>>, %arg9: memref<10240x128xf32, #tpu.memory_space<vmem_shared>>, %arg10: memref<!tpu.dma_semaphore, #tpu.memory_space<semaphore_mem>>, %arg11: memref<!tpu.dma_semaphore, #tpu.memory_space<semaphore_mem>>, %arg12: memref<!tpu.dma_semaphore, #tpu.memory_space<semaphore_mem>>, %arg13: memref<!tpu.dma_semaphore, #tpu.memory_space<semaphore_mem>>) attributes {dimension_semantics = [#tpu.dimension_semantics<core_parallel>, #tpu.dimension_semantics<subcore_parallel>], iteration_bounds = array<i64: 2, 16>, scalar_prefetch = 0 : i64, scratch_operands = 8 : i64, tpu.core_type = #tpu.core_type<sc_vector_subcore>, window_params = [{transform_indices = #map}, {transform_indices = #map1}, {transform_indices = #map}, {transform_indices = #map2}]} {
    %mul3A = arith.constant 2 : i32
    %mul3A_0 = arith.muli %arg1, %mul3A : i32
    %add3A = arith.addi %mul3A_0, %arg0 : i32
    %run_scoped3A = arith.constant 0 : i32
    "tpu.region"() ({
      %run_scoped3A_52 = tpu.sem_alloc : memref<!tpu.dma_semaphore, #tpu.memory_space<semaphore_mem>>
      %dma_start3A_53 = arith.constant 0 : i32
      %dma_start3A_54 = arith.constant 0 : i32
      %dma_start3A_55 = tpu.memref_slice %arg3[%run_scoped3A, %add3A, %dma_start3A_53, %dma_start3A_54] : memref<2x32x100x100xi32, #tpu.memory_space<hbm>> -> memref<1x1x100x100xi32, #tpu.memory_space<hbm>>
      %dma_start3A_56 = tpu.memref_squeeze %dma_start3A_55 : memref<1x1x100x100xi32, #tpu.memory_space<hbm>> -> memref<100x100xi32, #tpu.memory_space<hbm>>
      %dma_start3A_57 = arith.constant 0 : i32
      %dma_start3A_58 = arith.constant 0 : i32
      %dma_start3A_59 = tpu.memref_slice %arg3[%run_scoped3A, %add3A, %dma_start3A_57, %dma_start3A_58] : memref<2x32x100x100xi32, #tpu.memory_space<hbm>> -> memref<1x1x100x100xi32, #tpu.memory_space<hbm>>
      %dma_start3A_60 = tpu.memref_squeeze %dma_start3A_59 : memref<1x1x100x100xi32, #tpu.memory_space<hbm>> -> memref<100x100xi32, #tpu.memory_space<hbm>>
      tpu.enqueue_dma source(%dma_start3A_60 : memref<100x100xi32, #tpu.memory_space<hbm>>) target(%arg6 : memref<100x100xi32, #tpu.memory_space<vmem>>) target_semaphore(%run_scoped3A_52 : memref<!tpu.dma_semaphore, #tpu.memory_space<semaphore_mem>>)
      %dma_wait3A_61 = arith.constant 0 : i32
      %dma_wait3A_62 = arith.constant 0 : i32
      %dma_wait3A_63 = tpu.memref_slice %arg3[%run_scoped3A, %add3A, %dma_wait3A_61, %dma_wait3A_62] : memref<2x32x100x100xi32, #tpu.memory_space<hbm>> -> memref<1x1x100x100xi32, #tpu.memory_space<hbm>>
      %dma_wait3A_64 = tpu.memref_squeeze %dma_wait3A_63 : memref<1x1x100x100xi32, #tpu.memory_space<hbm>> -> memref<100x100xi32, #tpu.memory_space<hbm>>
      %dma_wait3A_65 = arith.constant 0 : i32
      %dma_wait3A_66 = arith.constant 0 : i32
      %dma_wait3A_67 = tpu.memref_slice %arg3[%run_scoped3A, %add3A, %dma_wait3A_65, %dma_wait3A_66] : memref<2x32x100x100xi32, #tpu.memory_space<hbm>> -> memref<1x1x100x100xi32, #tpu.memory_space<hbm>>
      %dma_wait3A_68 = tpu.memref_squeeze %dma_wait3A_67 : memref<1x1x100x100xi32, #tpu.memory_space<hbm>> -> memref<100x100xi32, #tpu.memory_space<hbm>>
      tpu.wait_dma2 semaphore(%run_scoped3A_52 : memref<!tpu.dma_semaphore, #tpu.memory_space<semaphore_mem>>) src(%dma_wait3A_68 : memref<100x100xi32, #tpu.memory_space<hbm>>) dst(%arg6 : memref<100x100xi32, #tpu.memory_space<vmem>>)
      tpu.yield
    }) : () -> ()
    %run_scoped3A_1 = arith.constant 1 : i32
    "tpu.region"() ({
      %run_scoped3A_52 = tpu.sem_alloc : memref<!tpu.dma_semaphore, #tpu.memory_space<semaphore_mem>>
      %dma_start3A_53 = arith.constant 0 : i32
      %dma_start3A_54 = arith.constant 0 : i32
      %dma_start3A_55 = tpu.memref_slice %arg3[%run_scoped3A_1, %add3A, %dma_start3A_53, %dma_start3A_54] : memref<2x32x100x100xi32, #tpu.memory_space<hbm>> -> memref<1x1x100x100xi32, #tpu.memory_space<hbm>>
      %dma_start3A_56 = tpu.memref_squeeze %dma_start3A_55 : memref<1x1x100x100xi32, #tpu.memory_space<hbm>> -> memref<100x100xi32, #tpu.memory_space<hbm>>
      %dma_start3A_57 = arith.constant 0 : i32
      %dma_start3A_58 = arith.constant 0 : i32
      %dma_start3A_59 = tpu.memref_slice %arg3[%run_scoped3A_1, %add3A, %dma_start3A_57, %dma_start3A_58] : memref<2x32x100x100xi32, #tpu.memory_space<hbm>> -> memref<1x1x100x100xi32, #tpu.memory_space<hbm>>
      %dma_start3A_60 = tpu.memref_squeeze %dma_start3A_59 : memref<1x1x100x100xi32, #tpu.memory_space<hbm>> -> memref<100x100xi32, #tpu.memory_space<hbm>>
      tpu.enqueue_dma source(%dma_start3A_60 : memref<100x100xi32, #tpu.memory_space<hbm>>) target(%arg7 : memref<100x100xi32, #tpu.memory_space<vmem>>) target_semaphore(%run_scoped3A_52 : memref<!tpu.dma_semaphore, #tpu.memory_space<semaphore_mem>>)
      %dma_wait3A_61 = arith.constant 0 : i32
      %dma_wait3A_62 = arith.constant 0 : i32
      %dma_wait3A_63 = tpu.memref_slice %arg3[%run_scoped3A_1, %add3A, %dma_wait3A_61, %dma_wait3A_62] : memref<2x32x100x100xi32, #tpu.memory_space<hbm>> -> memref<1x1x100x100xi32, #tpu.memory_space<hbm>>
      %dma_wait3A_64 = tpu.memref_squeeze %dma_wait3A_63 : memref<1x1x100x100xi32, #tpu.memory_space<hbm>> -> memref<100x100xi32, #tpu.memory_space<hbm>>
      %dma_wait3A_65 = arith.constant 0 : i32
      %dma_wait3A_66 = arith.constant 0 : i32
      %dma_wait3A_67 = tpu.memref_slice %arg3[%run_scoped3A_1, %add3A, %dma_wait3A_65, %dma_wait3A_66] : memref<2x32x100x100xi32, #tpu.memory_space<hbm>> -> memref<1x1x100x100xi32, #tpu.memory_space<hbm>>
      %dma_wait3A_68 = tpu.memref_squeeze %dma_wait3A_67 : memref<1x1x100x100xi32, #tpu.memory_space<hbm>> -> memref<100x100xi32, #tpu.memory_space<hbm>>
      tpu.wait_dma2 semaphore(%run_scoped3A_52 : memref<!tpu.dma_semaphore, #tpu.memory_space<semaphore_mem>>) src(%dma_wait3A_68 : memref<100x100xi32, #tpu.memory_space<hbm>>) dst(%arg7 : memref<100x100xi32, #tpu.memory_space<vmem>>)
      tpu.yield
    }) : () -> ()
    %scan3A = arith.constant 0 : i32
    %scan3A_2 = arith.constant 0 : i32
    %scan3A_3 = arith.constant 5 : i32
    %scan3A_4 = arith.addi %scan3A_2, %scan3A_3 : i32
    %scan3A_5 = arith.constant 1 : i32
    scf.for %scan3A_52 = %scan3A_2 to %scan3A_4 step %scan3A_5  : i32 {
      %mul3A_53 = arith.constant 640 : i32
      %mul3A_54 = arith.muli %arg1, %mul3A_53 : i32
      %mul3A_55 = arith.constant 128 : i32
      %mul3A_56 = arith.muli %scan3A_52, %mul3A_55 : i32
      %add3A_57 = arith.addi %mul3A_54, %mul3A_56 : i32
      "tpu.region"() ({
        %run_scoped3A_58 = tpu.sem_alloc : memref<!tpu.dma_semaphore, #tpu.memory_space<semaphore_mem>>
        %dma_start3A_59 = arith.constant 0 : i32
        %dma_start3A_60 = tpu.memref_slice %arg9[%add3A_57, %dma_start3A_59] : memref<10240x128xf32, #tpu.memory_space<vmem_shared>> -> memref<128x128xf32, #tpu.memory_space<vmem_shared>>
        tpu.enqueue_dma source(%arg4 : memref<128x128xf32, #tpu.memory_space<hbm>>) target(%dma_start3A_60 : memref<128x128xf32, #tpu.memory_space<vmem_shared>>) target_semaphore(%run_scoped3A_58 : memref<!tpu.dma_semaphore, #tpu.memory_space<semaphore_mem>>)
        %dma_wait3A_61 = arith.constant 0 : i32
        %dma_wait3A_62 = tpu.memref_slice %arg9[%add3A_57, %dma_wait3A_61] : memref<10240x128xf32, #tpu.memory_space<vmem_shared>> -> memref<128x128xf32, #tpu.memory_space<vmem_shared>>
        tpu.wait_dma2 semaphore(%run_scoped3A_58 : memref<!tpu.dma_semaphore, #tpu.memory_space<semaphore_mem>>) src(%arg4 : memref<128x128xf32, #tpu.memory_space<hbm>>) dst(%dma_wait3A_62 : memref<128x128xf32, #tpu.memory_space<vmem_shared>>)
        tpu.yield
      }) : () -> ()
    }
    %scan3A_6 = arith.constant 5 : i32
    %barrier3A = arith.constant 0 : index
    tpu.barrier barrier_id(%barrier3A)
    %dma_start3A = arith.constant 0 : i32
    %dma_start3A_7 = arith.constant 0 : i32
    %dma_start3A_8 = arith.constant 0 : i32
    %dma_start3A_9 = arith.constant 0 : i32
    %dma_start3A_10 = tpu.memref_slice %arg8[%dma_start3A_7, %dma_start3A_8, %dma_start3A_9] : memref<2x100x128xf32, #tpu.memory_space<vmem>> -> memref<1x100x128xf32, #tpu.memory_space<vmem>>
    %dma_start3A_11 = tpu.memref_squeeze %dma_start3A_10 : memref<1x100x128xf32, #tpu.memory_space<vmem>> -> memref<100x128xf32, #tpu.memory_space<vmem>>
    %dma_start3A_12 = arith.constant 0 : i32
    %dma_start3A_13 = tpu.memref_slice %arg6[%dma_start3A, %dma_start3A_12] : memref<100x100xi32, #tpu.memory_space<vmem>> -> memref<1x100xi32, #tpu.memory_space<vmem>>
    %dma_start3A_14 = tpu.memref_squeeze %dma_start3A_13 : memref<1x100xi32, #tpu.memory_space<vmem>> -> memref<100xi32, #tpu.memory_space<vmem>>
    %dma_start3A_15 = arith.constant 0 : i32
    %dma_start3A_16 = arith.constant 0 : i32
    %dma_start3A_17 = tpu.memref_slice %arg2[%dma_start3A_15, %dma_start3A_16] : memref<10000x128xf32, #tpu.memory_space<hbm>> -> memref<10000x128xf32, #tpu.memory_space<hbm>>
    tpu.enqueue_indirect_dma source(%dma_start3A_17 : memref<10000x128xf32, #tpu.memory_space<hbm>>) target(%dma_start3A_11 : memref<100x128xf32, #tpu.memory_space<vmem>>) offsets(%dma_start3A_14 : memref<100xi32, #tpu.memory_space<vmem>>) semaphore(%arg10 : memref<!tpu.dma_semaphore, #tpu.memory_space<semaphore_mem>>)
    %scan3A_18 = arith.constant 0 : i32
    %scan3A_19 = arith.constant 0 : i32
    %scan3A_20 = arith.constant 50 : i32
    %scan3A_21 = arith.addi %scan3A_19, %scan3A_20 : i32
    %scan3A_22 = arith.constant 1 : i32
    scf.for %scan3A_52 = %scan3A_19 to %scan3A_21 step %scan3A_22  : i32 {
      %mul3A_53 = arith.constant 2 : i32
      %mul3A_54 = arith.muli %scan3A_52, %mul3A_53 : i32
      %add3A_55 = arith.constant 0 : i32
      %add3A_56 = arith.addi %mul3A_54, %add3A_55 : i32
      %dma_wait3A_57 = arith.constant 0 : i32
      %dma_wait3A_58 = arith.constant 0 : i32
      %dma_wait3A_59 = arith.constant 0 : i32
      %dma_wait3A_60 = tpu.memref_slice %arg8[%dma_wait3A_57, %dma_wait3A_58, %dma_wait3A_59] : memref<2x100x128xf32, #tpu.memory_space<vmem>> -> memref<1x100x128xf32, #tpu.memory_space<vmem>>
      %dma_wait3A_61 = tpu.memref_squeeze %dma_wait3A_60 : memref<1x100x128xf32, #tpu.memory_space<vmem>> -> memref<100x128xf32, #tpu.memory_space<vmem>>
      %dma_wait3A_62 = arith.constant 0 : i32
      %dma_wait3A_63 = tpu.memref_slice %arg6[%add3A_56, %dma_wait3A_62] : memref<100x100xi32, #tpu.memory_space<vmem>> -> memref<1x100xi32, #tpu.memory_space<vmem>>
      %dma_wait3A_64 = tpu.memref_squeeze %dma_wait3A_63 : memref<1x100xi32, #tpu.memory_space<vmem>> -> memref<100xi32, #tpu.memory_space<vmem>>
      %dma_wait3A_65 = arith.constant 0 : i32
      %dma_wait3A_66 = arith.constant 0 : i32
      %dma_wait3A_67 = tpu.memref_slice %arg2[%dma_wait3A_65, %dma_wait3A_66] : memref<10000x128xf32, #tpu.memory_space<hbm>> -> memref<10000x128xf32, #tpu.memory_space<hbm>>
      tpu.wait_indirect_dma semaphore(%arg10 : memref<!tpu.dma_semaphore, #tpu.memory_space<semaphore_mem>>) src(%dma_wait3A_67 : memref<10000x128xf32, #tpu.memory_space<hbm>>) dst(%dma_wait3A_61 : memref<100x128xf32, #tpu.memory_space<vmem>>)
      %dma_start3A_68 = arith.constant 0 : i32
      %dma_start3A_69 = arith.constant 0 : i32
      %dma_start3A_70 = arith.constant 0 : i32
      %dma_start3A_71 = tpu.memref_slice %arg8[%dma_start3A_68, %dma_start3A_69, %dma_start3A_70] : memref<2x100x128xf32, #tpu.memory_space<vmem>> -> memref<1x100x128xf32, #tpu.memory_space<vmem>>
      %dma_start3A_72 = tpu.memref_squeeze %dma_start3A_71 : memref<1x100x128xf32, #tpu.memory_space<vmem>> -> memref<100x128xf32, #tpu.memory_space<vmem>>
      %dma_start3A_73 = arith.constant 0 : i32
      %dma_start3A_74 = tpu.memref_slice %arg7[%add3A_56, %dma_start3A_73] : memref<100x100xi32, #tpu.memory_space<vmem>> -> memref<1x100xi32, #tpu.memory_space<vmem>>
      %dma_start3A_75 = tpu.memref_squeeze %dma_start3A_74 : memref<1x100xi32, #tpu.memory_space<vmem>> -> memref<100xi32, #tpu.memory_space<vmem>>
      %dma_start3A_76 = arith.constant 0 : i32
      %dma_start3A_77 = arith.constant 0 : i32
      %dma_start3A_78 = tpu.memref_slice %arg9[%dma_start3A_76, %dma_start3A_77] : memref<10240x128xf32, #tpu.memory_space<vmem_shared>> -> memref<10240x128xf32, #tpu.memory_space<vmem_shared>>
      tpu.enqueue_indirect_dma source(%dma_start3A_72 : memref<100x128xf32, #tpu.memory_space<vmem>>) target(%dma_start3A_78 : memref<10240x128xf32, #tpu.memory_space<vmem_shared>>) offsets(%dma_start3A_75 : memref<100xi32, #tpu.memory_space<vmem>>) semaphore(%arg12 : memref<!tpu.dma_semaphore, #tpu.memory_space<semaphore_mem>>) {add = true}
      %add3A_79 = arith.constant 1 : i32
      %add3A_80 = arith.addi %add3A_56, %add3A_79 : i32
      %lt3A = arith.constant 100 : i32
      %lt3A_81 = arith.cmpi slt, %add3A_80, %lt3A : i32
      %convert_element_type3A = arith.extui %lt3A_81 : i1 to i32
      %cond3A = arith.constant 0 : i32
      %cond3A_82 = arith.cmpi ne, %convert_element_type3A, %cond3A : i32
      scf.if %cond3A_82 {
        %ge3A = arith.constant 1 : i32
        %ge3A_116 = arith.cmpi sge, %add3A_56, %ge3A : i32
        %convert_element_type3A_117 = arith.extui %ge3A_116 : i1 to i32
        %cond3A_118 = arith.constant 0 : i32
        %cond3A_119 = arith.cmpi ne, %convert_element_type3A_117, %cond3A_118 : i32
        scf.if %cond3A_119 {
          %dma_wait3A_133 = arith.constant 1 : i32
          %dma_wait3A_134 = arith.constant 0 : i32
          %dma_wait3A_135 = arith.constant 0 : i32
          %dma_wait3A_136 = arith.constant 0 : i32
          %dma_wait3A_137 = tpu.memref_slice %arg8[%dma_wait3A_133, %dma_wait3A_135, %dma_wait3A_136] : memref<2x100x128xf32, #tpu.memory_space<vmem>> -> memref<1x100x128xf32, #tpu.memory_space<vmem>>
          %dma_wait3A_138 = tpu.memref_squeeze %dma_wait3A_137 : memref<1x100x128xf32, #tpu.memory_space<vmem>> -> memref<100x128xf32, #tpu.memory_space<vmem>>
          %dma_wait3A_139 = arith.constant 0 : i32
          %dma_wait3A_140 = tpu.memref_slice %arg7[%dma_wait3A_134, %dma_wait3A_139] : memref<100x100xi32, #tpu.memory_space<vmem>> -> memref<1x100xi32, #tpu.memory_space<vmem>>
          %dma_wait3A_141 = tpu.memref_squeeze %dma_wait3A_140 : memref<1x100xi32, #tpu.memory_space<vmem>> -> memref<100xi32, #tpu.memory_space<vmem>>
          %dma_wait3A_142 = arith.constant 0 : i32
          %dma_wait3A_143 = arith.constant 0 : i32
          %dma_wait3A_144 = tpu.memref_slice %arg9[%dma_wait3A_142, %dma_wait3A_143] : memref<10240x128xf32, #tpu.memory_space<vmem_shared>> -> memref<10240x128xf32, #tpu.memory_space<vmem_shared>>
          tpu.wait_indirect_dma semaphore(%arg13 : memref<!tpu.dma_semaphore, #tpu.memory_space<semaphore_mem>>) src(%dma_wait3A_138 : memref<100x128xf32, #tpu.memory_space<vmem>>) dst(%dma_wait3A_144 : memref<10240x128xf32, #tpu.memory_space<vmem_shared>>)
        } else {
        }
        %add3A_120 = arith.constant 1 : i32
        %add3A_121 = arith.addi %add3A_56, %add3A_120 : i32
        %dma_start3A_122 = arith.constant 1 : i32
        %dma_start3A_123 = arith.constant 0 : i32
        %dma_start3A_124 = arith.constant 0 : i32
        %dma_start3A_125 = tpu.memref_slice %arg8[%dma_start3A_122, %dma_start3A_123, %dma_start3A_124] : memref<2x100x128xf32, #tpu.memory_space<vmem>> -> memref<1x100x128xf32, #tpu.memory_space<vmem>>
        %dma_start3A_126 = tpu.memref_squeeze %dma_start3A_125 : memref<1x100x128xf32, #tpu.memory_space<vmem>> -> memref<100x128xf32, #tpu.memory_space<vmem>>
        %dma_start3A_127 = arith.constant 0 : i32
        %dma_start3A_128 = tpu.memref_slice %arg6[%add3A_121, %dma_start3A_127] : memref<100x100xi32, #tpu.memory_space<vmem>> -> memref<1x100xi32, #tpu.memory_space<vmem>>
        %dma_start3A_129 = tpu.memref_squeeze %dma_start3A_128 : memref<1x100xi32, #tpu.memory_space<vmem>> -> memref<100xi32, #tpu.memory_space<vmem>>
        %dma_start3A_130 = arith.constant 0 : i32
        %dma_start3A_131 = arith.constant 0 : i32
        %dma_start3A_132 = tpu.memref_slice %arg2[%dma_start3A_130, %dma_start3A_131] : memref<10000x128xf32, #tpu.memory_space<hbm>> -> memref<10000x128xf32, #tpu.memory_space<hbm>>
        tpu.enqueue_indirect_dma source(%dma_start3A_132 : memref<10000x128xf32, #tpu.memory_space<hbm>>) target(%dma_start3A_126 : memref<100x128xf32, #tpu.memory_space<vmem>>) offsets(%dma_start3A_129 : memref<100xi32, #tpu.memory_space<vmem>>) semaphore(%arg11 : memref<!tpu.dma_semaphore, #tpu.memory_space<semaphore_mem>>)
      } else {
      }
      %mul3A_83 = arith.constant 2 : i32
      %mul3A_84 = arith.muli %scan3A_52, %mul3A_83 : i32
      %add3A_85 = arith.constant 1 : i32
      %add3A_86 = arith.addi %mul3A_84, %add3A_85 : i32
      %dma_wait3A_87 = arith.constant 1 : i32
      %dma_wait3A_88 = arith.constant 0 : i32
      %dma_wait3A_89 = arith.constant 0 : i32
      %dma_wait3A_90 = tpu.memref_slice %arg8[%dma_wait3A_87, %dma_wait3A_88, %dma_wait3A_89] : memref<2x100x128xf32, #tpu.memory_space<vmem>> -> memref<1x100x128xf32, #tpu.memory_space<vmem>>
      %dma_wait3A_91 = tpu.memref_squeeze %dma_wait3A_90 : memref<1x100x128xf32, #tpu.memory_space<vmem>> -> memref<100x128xf32, #tpu.memory_space<vmem>>
      %dma_wait3A_92 = arith.constant 0 : i32
      %dma_wait3A_93 = tpu.memref_slice %arg6[%add3A_86, %dma_wait3A_92] : memref<100x100xi32, #tpu.memory_space<vmem>> -> memref<1x100xi32, #tpu.memory_space<vmem>>
      %dma_wait3A_94 = tpu.memref_squeeze %dma_wait3A_93 : memref<1x100xi32, #tpu.memory_space<vmem>> -> memref<100xi32, #tpu.memory_space<vmem>>
      %dma_wait3A_95 = arith.constant 0 : i32
      %dma_wait3A_96 = arith.constant 0 : i32
      %dma_wait3A_97 = tpu.memref_slice %arg2[%dma_wait3A_95, %dma_wait3A_96] : memref<10000x128xf32, #tpu.memory_space<hbm>> -> memref<10000x128xf32, #tpu.memory_space<hbm>>
      tpu.wait_indirect_dma semaphore(%arg11 : memref<!tpu.dma_semaphore, #tpu.memory_space<semaphore_mem>>) src(%dma_wait3A_97 : memref<10000x128xf32, #tpu.memory_space<hbm>>) dst(%dma_wait3A_91 : memref<100x128xf32, #tpu.memory_space<vmem>>)
      %dma_start3A_98 = arith.constant 1 : i32
      %dma_start3A_99 = arith.constant 0 : i32
      %dma_start3A_100 = arith.constant 0 : i32
      %dma_start3A_101 = tpu.memref_slice %arg8[%dma_start3A_98, %dma_start3A_99, %dma_start3A_100] : memref<2x100x128xf32, #tpu.memory_space<vmem>> -> memref<1x100x128xf32, #tpu.memory_space<vmem>>
      %dma_start3A_102 = tpu.memref_squeeze %dma_start3A_101 : memref<1x100x128xf32, #tpu.memory_space<vmem>> -> memref<100x128xf32, #tpu.memory_space<vmem>>
      %dma_start3A_103 = arith.constant 0 : i32
      %dma_start3A_104 = tpu.memref_slice %arg7[%add3A_86, %dma_start3A_103] : memref<100x100xi32, #tpu.memory_space<vmem>> -> memref<1x100xi32, #tpu.memory_space<vmem>>
      %dma_start3A_105 = tpu.memref_squeeze %dma_start3A_104 : memref<1x100xi32, #tpu.memory_space<vmem>> -> memref<100xi32, #tpu.memory_space<vmem>>
      %dma_start3A_106 = arith.constant 0 : i32
      %dma_start3A_107 = arith.constant 0 : i32
      %dma_start3A_108 = tpu.memref_slice %arg9[%dma_start3A_106, %dma_start3A_107] : memref<10240x128xf32, #tpu.memory_space<vmem_shared>> -> memref<10240x128xf32, #tpu.memory_space<vmem_shared>>
      tpu.enqueue_indirect_dma source(%dma_start3A_102 : memref<100x128xf32, #tpu.memory_space<vmem>>) target(%dma_start3A_108 : memref<10240x128xf32, #tpu.memory_space<vmem_shared>>) offsets(%dma_start3A_105 : memref<100xi32, #tpu.memory_space<vmem>>) semaphore(%arg13 : memref<!tpu.dma_semaphore, #tpu.memory_space<semaphore_mem>>) {add = true}
      %add3A_109 = arith.constant 1 : i32
      %add3A_110 = arith.addi %add3A_86, %add3A_109 : i32
      %lt3A_111 = arith.constant 100 : i32
      %lt3A_112 = arith.cmpi slt, %add3A_110, %lt3A_111 : i32
      %convert_element_type3A_113 = arith.extui %lt3A_112 : i1 to i32
      %cond3A_114 = arith.constant 0 : i32
      %cond3A_115 = arith.cmpi ne, %convert_element_type3A_113, %cond3A_114 : i32
      scf.if %cond3A_115 {
        %ge3A = arith.constant 1 : i32
        %ge3A_116 = arith.cmpi sge, %add3A_86, %ge3A : i32
        %convert_element_type3A_117 = arith.extui %ge3A_116 : i1 to i32
        %cond3A_118 = arith.constant 0 : i32
        %cond3A_119 = arith.cmpi ne, %convert_element_type3A_117, %cond3A_118 : i32
        scf.if %cond3A_119 {
          %dma_wait3A_133 = arith.constant 0 : i32
          %dma_wait3A_134 = arith.constant 0 : i32
          %dma_wait3A_135 = arith.constant 0 : i32
          %dma_wait3A_136 = arith.constant 0 : i32
          %dma_wait3A_137 = tpu.memref_slice %arg8[%dma_wait3A_133, %dma_wait3A_135, %dma_wait3A_136] : memref<2x100x128xf32, #tpu.memory_space<vmem>> -> memref<1x100x128xf32, #tpu.memory_space<vmem>>
          %dma_wait3A_138 = tpu.memref_squeeze %dma_wait3A_137 : memref<1x100x128xf32, #tpu.memory_space<vmem>> -> memref<100x128xf32, #tpu.memory_space<vmem>>
          %dma_wait3A_139 = arith.constant 0 : i32
          %dma_wait3A_140 = tpu.memref_slice %arg7[%dma_wait3A_134, %dma_wait3A_139] : memref<100x100xi32, #tpu.memory_space<vmem>> -> memref<1x100xi32, #tpu.memory_space<vmem>>
          %dma_wait3A_141 = tpu.memref_squeeze %dma_wait3A_140 : memref<1x100xi32, #tpu.memory_space<vmem>> -> memref<100xi32, #tpu.memory_space<vmem>>
          %dma_wait3A_142 = arith.constant 0 : i32
          %dma_wait3A_143 = arith.constant 0 : i32
          %dma_wait3A_144 = tpu.memref_slice %arg9[%dma_wait3A_142, %dma_wait3A_143] : memref<10240x128xf32, #tpu.memory_space<vmem_shared>> -> memref<10240x128xf32, #tpu.memory_space<vmem_shared>>
          tpu.wait_indirect_dma semaphore(%arg12 : memref<!tpu.dma_semaphore, #tpu.memory_space<semaphore_mem>>) src(%dma_wait3A_138 : memref<100x128xf32, #tpu.memory_space<vmem>>) dst(%dma_wait3A_144 : memref<10240x128xf32, #tpu.memory_space<vmem_shared>>)
        } else {
        }
        %add3A_120 = arith.constant 1 : i32
        %add3A_121 = arith.addi %add3A_86, %add3A_120 : i32
        %dma_start3A_122 = arith.constant 0 : i32
        %dma_start3A_123 = arith.constant 0 : i32
        %dma_start3A_124 = arith.constant 0 : i32
        %dma_start3A_125 = tpu.memref_slice %arg8[%dma_start3A_122, %dma_start3A_123, %dma_start3A_124] : memref<2x100x128xf32, #tpu.memory_space<vmem>> -> memref<1x100x128xf32, #tpu.memory_space<vmem>>
        %dma_start3A_126 = tpu.memref_squeeze %dma_start3A_125 : memref<1x100x128xf32, #tpu.memory_space<vmem>> -> memref<100x128xf32, #tpu.memory_space<vmem>>
        %dma_start3A_127 = arith.constant 0 : i32
        %dma_start3A_128 = tpu.memref_slice %arg6[%add3A_121, %dma_start3A_127] : memref<100x100xi32, #tpu.memory_space<vmem>> -> memref<1x100xi32, #tpu.memory_space<vmem>>
        %dma_start3A_129 = tpu.memref_squeeze %dma_start3A_128 : memref<1x100xi32, #tpu.memory_space<vmem>> -> memref<100xi32, #tpu.memory_space<vmem>>
        %dma_start3A_130 = arith.constant 0 : i32
        %dma_start3A_131 = arith.constant 0 : i32
        %dma_start3A_132 = tpu.memref_slice %arg2[%dma_start3A_130, %dma_start3A_131] : memref<10000x128xf32, #tpu.memory_space<hbm>> -> memref<10000x128xf32, #tpu.memory_space<hbm>>
        tpu.enqueue_indirect_dma source(%dma_start3A_132 : memref<10000x128xf32, #tpu.memory_space<hbm>>) target(%dma_start3A_126 : memref<100x128xf32, #tpu.memory_space<vmem>>) offsets(%dma_start3A_129 : memref<100xi32, #tpu.memory_space<vmem>>) semaphore(%arg10 : memref<!tpu.dma_semaphore, #tpu.memory_space<semaphore_mem>>)
      } else {
      }
    }
    %scan3A_23 = arith.constant 50 : i32
    %dma_wait3A = arith.constant 0 : i32
    %dma_wait3A_24 = arith.constant 0 : i32
    %dma_wait3A_25 = arith.constant 0 : i32
    %dma_wait3A_26 = arith.constant 0 : i32
    %dma_wait3A_27 = tpu.memref_slice %arg8[%dma_wait3A, %dma_wait3A_25, %dma_wait3A_26] : memref<2x100x128xf32, #tpu.memory_space<vmem>> -> memref<1x100x128xf32, #tpu.memory_space<vmem>>
    %dma_wait3A_28 = tpu.memref_squeeze %dma_wait3A_27 : memref<1x100x128xf32, #tpu.memory_space<vmem>> -> memref<100x128xf32, #tpu.memory_space<vmem>>
    %dma_wait3A_29 = arith.constant 0 : i32
    %dma_wait3A_30 = tpu.memref_slice %arg7[%dma_wait3A_24, %dma_wait3A_29] : memref<100x100xi32, #tpu.memory_space<vmem>> -> memref<1x100xi32, #tpu.memory_space<vmem>>
    %dma_wait3A_31 = tpu.memref_squeeze %dma_wait3A_30 : memref<1x100xi32, #tpu.memory_space<vmem>> -> memref<100xi32, #tpu.memory_space<vmem>>
    %dma_wait3A_32 = arith.constant 0 : i32
    %dma_wait3A_33 = arith.constant 0 : i32
    %dma_wait3A_34 = tpu.memref_slice %arg9[%dma_wait3A_32, %dma_wait3A_33] : memref<10240x128xf32, #tpu.memory_space<vmem_shared>> -> memref<10240x128xf32, #tpu.memory_space<vmem_shared>>
    tpu.wait_indirect_dma semaphore(%arg12 : memref<!tpu.dma_semaphore, #tpu.memory_space<semaphore_mem>>) src(%dma_wait3A_28 : memref<100x128xf32, #tpu.memory_space<vmem>>) dst(%dma_wait3A_34 : memref<10240x128xf32, #tpu.memory_space<vmem_shared>>)
    %dma_wait3A_35 = arith.constant 1 : i32
    %dma_wait3A_36 = arith.constant 0 : i32
    %dma_wait3A_37 = arith.constant 0 : i32
    %dma_wait3A_38 = arith.constant 0 : i32
    %dma_wait3A_39 = tpu.memref_slice %arg8[%dma_wait3A_35, %dma_wait3A_37, %dma_wait3A_38] : memref<2x100x128xf32, #tpu.memory_space<vmem>> -> memref<1x100x128xf32, #tpu.memory_space<vmem>>
    %dma_wait3A_40 = tpu.memref_squeeze %dma_wait3A_39 : memref<1x100x128xf32, #tpu.memory_space<vmem>> -> memref<100x128xf32, #tpu.memory_space<vmem>>
    %dma_wait3A_41 = arith.constant 0 : i32
    %dma_wait3A_42 = tpu.memref_slice %arg7[%dma_wait3A_36, %dma_wait3A_41] : memref<100x100xi32, #tpu.memory_space<vmem>> -> memref<1x100xi32, #tpu.memory_space<vmem>>
    %dma_wait3A_43 = tpu.memref_squeeze %dma_wait3A_42 : memref<1x100xi32, #tpu.memory_space<vmem>> -> memref<100xi32, #tpu.memory_space<vmem>>
    %dma_wait3A_44 = arith.constant 0 : i32
    %dma_wait3A_45 = arith.constant 0 : i32
    %dma_wait3A_46 = tpu.memref_slice %arg9[%dma_wait3A_44, %dma_wait3A_45] : memref<10240x128xf32, #tpu.memory_space<vmem_shared>> -> memref<10240x128xf32, #tpu.memory_space<vmem_shared>>
    tpu.wait_indirect_dma semaphore(%arg13 : memref<!tpu.dma_semaphore, #tpu.memory_space<semaphore_mem>>) src(%dma_wait3A_40 : memref<100x128xf32, #tpu.memory_space<vmem>>) dst(%dma_wait3A_46 : memref<10240x128xf32, #tpu.memory_space<vmem_shared>>)
    %barrier3A_47 = arith.constant 0 : index
    tpu.barrier barrier_id(%barrier3A_47)
    %mul3A_48 = arith.constant 640 : i32
    %mul3A_49 = arith.muli %arg1, %mul3A_48 : i32
    %mul3A_50 = arith.constant 640 : i32
    %mul3A_51 = arith.muli %arg1, %mul3A_50 : i32
    "tpu.region"() ({
      %run_scoped3A_52 = tpu.sem_alloc : memref<!tpu.dma_semaphore, #tpu.memory_space<semaphore_mem>>
      %dma_start3A_53 = arith.constant 0 : i32
      %dma_start3A_54 = tpu.memref_slice %arg5[%arg0, %mul3A_51, %dma_start3A_53] : memref<2x10240x128xf32, #tpu.memory_space<hbm>> -> memref<1x640x128xf32, #tpu.memory_space<hbm>>
      %dma_start3A_55 = tpu.memref_squeeze %dma_start3A_54 : memref<1x640x128xf32, #tpu.memory_space<hbm>> -> memref<640x128xf32, #tpu.memory_space<hbm>>
      %dma_start3A_56 = arith.constant 0 : i32
      %dma_start3A_57 = tpu.memref_slice %arg9[%mul3A_49, %dma_start3A_56] : memref<10240x128xf32, #tpu.memory_space<vmem_shared>> -> memref<640x128xf32, #tpu.memory_space<vmem_shared>>
      tpu.enqueue_dma source(%dma_start3A_57 : memref<640x128xf32, #tpu.memory_space<vmem_shared>>) target(%dma_start3A_55 : memref<640x128xf32, #tpu.memory_space<hbm>>) target_semaphore(%run_scoped3A_52 : memref<!tpu.dma_semaphore, #tpu.memory_space<semaphore_mem>>)
      %dma_wait3A_58 = arith.constant 0 : i32
      %dma_wait3A_59 = tpu.memref_slice %arg5[%arg0, %mul3A_51, %dma_wait3A_58] : memref<2x10240x128xf32, #tpu.memory_space<hbm>> -> memref<1x640x128xf32, #tpu.memory_space<hbm>>
      %dma_wait3A_60 = tpu.memref_squeeze %dma_wait3A_59 : memref<1x640x128xf32, #tpu.memory_space<hbm>> -> memref<640x128xf32, #tpu.memory_space<hbm>>
      %dma_wait3A_61 = arith.constant 0 : i32
      %dma_wait3A_62 = tpu.memref_slice %arg9[%mul3A_49, %dma_wait3A_61] : memref<10240x128xf32, #tpu.memory_space<vmem_shared>> -> memref<640x128xf32, #tpu.memory_space<vmem_shared>>
      tpu.wait_dma2 semaphore(%run_scoped3A_52 : memref<!tpu.dma_semaphore, #tpu.memory_space<semaphore_mem>>) src(%dma_wait3A_62 : memref<640x128xf32, #tpu.memory_space<vmem_shared>>) dst(%dma_wait3A_60 : memref<640x128xf32, #tpu.memory_space<hbm>>)
      tpu.yield
    }) : () -> ()
    return
  }
}

#map = affine_map<(d0, d1) -> (0, 0, 0, 0)>
#map1 = affine_map<(d0, d1) -> (0, 0, 0)>
module attributes {stable_mosaic.version = 14 : i64} {
  func.func @_deg_kernel(%arg0: i32, %arg1: i32, %arg2: memref<2x32x80x125xi32, #tpu.memory_space<hbm>>, %arg3: memref<2x2x10240xf32, #tpu.memory_space<hbm>>, %arg4: memref<80x125xi32, #tpu.memory_space<vmem>>, %arg5: memref<80x125xi32, #tpu.memory_space<vmem>>, %arg6: memref<128xf32, #tpu.memory_space<vmem>>, %arg7: memref<640xf32, #tpu.memory_space<vmem>>, %arg8: memref<10240xf32, #tpu.memory_space<vmem_shared>>, %arg9: memref<10240xf32, #tpu.memory_space<vmem_shared>>, %arg10: memref<!tpu.dma_semaphore, #tpu.memory_space<semaphore_mem>>, %arg11: memref<!tpu.dma_semaphore, #tpu.memory_space<semaphore_mem>>) attributes {dimension_semantics = [#tpu.dimension_semantics<core_parallel>, #tpu.dimension_semantics<subcore_parallel>], iteration_bounds = array<i64: 2, 16>, scalar_prefetch = 0 : i64, scratch_operands = 8 : i64, tpu.core_type = #tpu.core_type<sc_vector_subcore>, window_params = [{transform_indices = #map}, {transform_indices = #map1}]} {
    %mul3A = arith.constant 2 : i32
    %mul3A_0 = arith.muli %arg1, %mul3A : i32
    %add3A = arith.addi %mul3A_0, %arg0 : i32
    %run_scoped3A = arith.constant 0 : i32
    "tpu.region"() ({
      %run_scoped3A_40 = tpu.sem_alloc : memref<!tpu.dma_semaphore, #tpu.memory_space<semaphore_mem>>
      %dma_start3A = arith.constant 0 : i32
      %dma_start3A_41 = arith.constant 0 : i32
      %dma_start3A_42 = tpu.memref_slice %arg2[%run_scoped3A, %add3A, %dma_start3A, %dma_start3A_41] : memref<2x32x80x125xi32, #tpu.memory_space<hbm>> -> memref<1x1x80x125xi32, #tpu.memory_space<hbm>>
      %dma_start3A_43 = tpu.memref_squeeze %dma_start3A_42 : memref<1x1x80x125xi32, #tpu.memory_space<hbm>> -> memref<80x125xi32, #tpu.memory_space<hbm>>
      %dma_start3A_44 = arith.constant 0 : i32
      %dma_start3A_45 = arith.constant 0 : i32
      %dma_start3A_46 = tpu.memref_slice %arg2[%run_scoped3A, %add3A, %dma_start3A_44, %dma_start3A_45] : memref<2x32x80x125xi32, #tpu.memory_space<hbm>> -> memref<1x1x80x125xi32, #tpu.memory_space<hbm>>
      %dma_start3A_47 = tpu.memref_squeeze %dma_start3A_46 : memref<1x1x80x125xi32, #tpu.memory_space<hbm>> -> memref<80x125xi32, #tpu.memory_space<hbm>>
      tpu.enqueue_dma source(%dma_start3A_47 : memref<80x125xi32, #tpu.memory_space<hbm>>) target(%arg4 : memref<80x125xi32, #tpu.memory_space<vmem>>) target_semaphore(%run_scoped3A_40 : memref<!tpu.dma_semaphore, #tpu.memory_space<semaphore_mem>>)
      %dma_wait3A = arith.constant 0 : i32
      %dma_wait3A_48 = arith.constant 0 : i32
      %dma_wait3A_49 = tpu.memref_slice %arg2[%run_scoped3A, %add3A, %dma_wait3A, %dma_wait3A_48] : memref<2x32x80x125xi32, #tpu.memory_space<hbm>> -> memref<1x1x80x125xi32, #tpu.memory_space<hbm>>
      %dma_wait3A_50 = tpu.memref_squeeze %dma_wait3A_49 : memref<1x1x80x125xi32, #tpu.memory_space<hbm>> -> memref<80x125xi32, #tpu.memory_space<hbm>>
      %dma_wait3A_51 = arith.constant 0 : i32
      %dma_wait3A_52 = arith.constant 0 : i32
      %dma_wait3A_53 = tpu.memref_slice %arg2[%run_scoped3A, %add3A, %dma_wait3A_51, %dma_wait3A_52] : memref<2x32x80x125xi32, #tpu.memory_space<hbm>> -> memref<1x1x80x125xi32, #tpu.memory_space<hbm>>
      %dma_wait3A_54 = tpu.memref_squeeze %dma_wait3A_53 : memref<1x1x80x125xi32, #tpu.memory_space<hbm>> -> memref<80x125xi32, #tpu.memory_space<hbm>>
      tpu.wait_dma2 semaphore(%run_scoped3A_40 : memref<!tpu.dma_semaphore, #tpu.memory_space<semaphore_mem>>) src(%dma_wait3A_54 : memref<80x125xi32, #tpu.memory_space<hbm>>) dst(%arg4 : memref<80x125xi32, #tpu.memory_space<vmem>>)
      tpu.yield
    }) : () -> ()
    %run_scoped3A_1 = arith.constant 1 : i32
    "tpu.region"() ({
      %run_scoped3A_40 = tpu.sem_alloc : memref<!tpu.dma_semaphore, #tpu.memory_space<semaphore_mem>>
      %dma_start3A = arith.constant 0 : i32
      %dma_start3A_41 = arith.constant 0 : i32
      %dma_start3A_42 = tpu.memref_slice %arg2[%run_scoped3A_1, %add3A, %dma_start3A, %dma_start3A_41] : memref<2x32x80x125xi32, #tpu.memory_space<hbm>> -> memref<1x1x80x125xi32, #tpu.memory_space<hbm>>
      %dma_start3A_43 = tpu.memref_squeeze %dma_start3A_42 : memref<1x1x80x125xi32, #tpu.memory_space<hbm>> -> memref<80x125xi32, #tpu.memory_space<hbm>>
      %dma_start3A_44 = arith.constant 0 : i32
      %dma_start3A_45 = arith.constant 0 : i32
      %dma_start3A_46 = tpu.memref_slice %arg2[%run_scoped3A_1, %add3A, %dma_start3A_44, %dma_start3A_45] : memref<2x32x80x125xi32, #tpu.memory_space<hbm>> -> memref<1x1x80x125xi32, #tpu.memory_space<hbm>>
      %dma_start3A_47 = tpu.memref_squeeze %dma_start3A_46 : memref<1x1x80x125xi32, #tpu.memory_space<hbm>> -> memref<80x125xi32, #tpu.memory_space<hbm>>
      tpu.enqueue_dma source(%dma_start3A_47 : memref<80x125xi32, #tpu.memory_space<hbm>>) target(%arg5 : memref<80x125xi32, #tpu.memory_space<vmem>>) target_semaphore(%run_scoped3A_40 : memref<!tpu.dma_semaphore, #tpu.memory_space<semaphore_mem>>)
      %dma_wait3A = arith.constant 0 : i32
      %dma_wait3A_48 = arith.constant 0 : i32
      %dma_wait3A_49 = tpu.memref_slice %arg2[%run_scoped3A_1, %add3A, %dma_wait3A, %dma_wait3A_48] : memref<2x32x80x125xi32, #tpu.memory_space<hbm>> -> memref<1x1x80x125xi32, #tpu.memory_space<hbm>>
      %dma_wait3A_50 = tpu.memref_squeeze %dma_wait3A_49 : memref<1x1x80x125xi32, #tpu.memory_space<hbm>> -> memref<80x125xi32, #tpu.memory_space<hbm>>
      %dma_wait3A_51 = arith.constant 0 : i32
      %dma_wait3A_52 = arith.constant 0 : i32
      %dma_wait3A_53 = tpu.memref_slice %arg2[%run_scoped3A_1, %add3A, %dma_wait3A_51, %dma_wait3A_52] : memref<2x32x80x125xi32, #tpu.memory_space<hbm>> -> memref<1x1x80x125xi32, #tpu.memory_space<hbm>>
      %dma_wait3A_54 = tpu.memref_squeeze %dma_wait3A_53 : memref<1x1x80x125xi32, #tpu.memory_space<hbm>> -> memref<80x125xi32, #tpu.memory_space<hbm>>
      tpu.wait_dma2 semaphore(%run_scoped3A_40 : memref<!tpu.dma_semaphore, #tpu.memory_space<semaphore_mem>>) src(%dma_wait3A_54 : memref<80x125xi32, #tpu.memory_space<hbm>>) dst(%arg5 : memref<80x125xi32, #tpu.memory_space<vmem>>)
      tpu.yield
    }) : () -> ()
    %scan3A = arith.constant 0 : i32
    %scan3A_2 = arith.constant 0 : i32
    %scan3A_3 = arith.constant 8 : i32
    %scan3A_4 = arith.addi %scan3A_2, %scan3A_3 : i32
    %scan3A_5 = arith.constant 1 : i32
    scf.for %scan3A_40 = %scan3A_2 to %scan3A_4 step %scan3A_5  : i32 {
      %broadcast_in_dim3A = arith.constant 1.000000e+00 : f32
      %broadcast_in_dim3A_41 = vector.broadcast %broadcast_in_dim3A : f32 to vector<16xf32>
      %mul3A_42 = arith.constant 16 : i32
      %mul3A_43 = arith.muli %scan3A_40, %mul3A_42 : i32
      %swap3A = arith.index_cast %mul3A_43 : i32 to index
      %swap3A_44 = tpu.vector_load %arg6[%swap3A] {strides = array<i32>} : memref<128xf32, #tpu.memory_space<vmem>>, vector<16xf32>,
      %swap3A_45 = vector.shape_cast %swap3A_44 : vector<16xf32> to vector<16xf32>
      %swap3A_46 = vector.shape_cast %broadcast_in_dim3A_41 : vector<16xf32> to vector<16xf32>
      tpu.vector_store %arg6[%swap3A], %swap3A_46 {strides = array<i32>} : memref<128xf32, #tpu.memory_space<vmem>>, vector<16xf32>,
    }
    %scan3A_6 = arith.constant 8 : i32
    %scan3A_7 = arith.constant 0 : i32
    %scan3A_8 = arith.constant 0 : i32
    %scan3A_9 = arith.constant 40 : i32
    %scan3A_10 = arith.addi %scan3A_8, %scan3A_9 : i32
    %scan3A_11 = arith.constant 1 : i32
    scf.for %scan3A_40 = %scan3A_8 to %scan3A_10 step %scan3A_11  : i32 {
      %broadcast_in_dim3A = arith.constant 0.000000e+00 : f32
      %broadcast_in_dim3A_41 = vector.broadcast %broadcast_in_dim3A : f32 to vector<16xf32>
      %mul3A_42 = arith.constant 16 : i32
      %mul3A_43 = arith.muli %scan3A_40, %mul3A_42 : i32
      %swap3A = arith.index_cast %mul3A_43 : i32 to index
      %swap3A_44 = tpu.vector_load %arg7[%swap3A] {strides = array<i32>} : memref<640xf32, #tpu.memory_space<vmem>>, vector<16xf32>,
      %swap3A_45 = vector.shape_cast %swap3A_44 : vector<16xf32> to vector<16xf32>
      %swap3A_46 = vector.shape_cast %broadcast_in_dim3A_41 : vector<16xf32> to vector<16xf32>
      tpu.vector_store %arg7[%swap3A], %swap3A_46 {strides = array<i32>} : memref<640xf32, #tpu.memory_space<vmem>>, vector<16xf32>,
    }
    %scan3A_12 = arith.constant 40 : i32
    %mul3A_13 = arith.constant 640 : i32
    %mul3A_14 = arith.muli %arg1, %mul3A_13 : i32
    "tpu.region"() ({
      %run_scoped3A_40 = tpu.sem_alloc : memref<!tpu.dma_semaphore, #tpu.memory_space<semaphore_mem>>
      %dma_start3A = tpu.memref_slice %arg8[%mul3A_14] : memref<10240xf32, #tpu.memory_space<vmem_shared>> -> memref<640xf32, #tpu.memory_space<vmem_shared>>
      %dma_start3A_41 = tpu.memref_slice %arg8[%mul3A_14] : memref<10240xf32, #tpu.memory_space<vmem_shared>> -> memref<640xf32, #tpu.memory_space<vmem_shared>>
      tpu.enqueue_dma source(%arg7 : memref<640xf32, #tpu.memory_space<vmem>>) target(%dma_start3A_41 : memref<640xf32, #tpu.memory_space<vmem_shared>>) target_semaphore(%run_scoped3A_40 : memref<!tpu.dma_semaphore, #tpu.memory_space<semaphore_mem>>)
      %dma_wait3A = tpu.memref_slice %arg8[%mul3A_14] : memref<10240xf32, #tpu.memory_space<vmem_shared>> -> memref<640xf32, #tpu.memory_space<vmem_shared>>
      %dma_wait3A_42 = tpu.memref_slice %arg8[%mul3A_14] : memref<10240xf32, #tpu.memory_space<vmem_shared>> -> memref<640xf32, #tpu.memory_space<vmem_shared>>
      tpu.wait_dma2 semaphore(%run_scoped3A_40 : memref<!tpu.dma_semaphore, #tpu.memory_space<semaphore_mem>>) src(%arg7 : memref<640xf32, #tpu.memory_space<vmem>>) dst(%dma_wait3A_42 : memref<640xf32, #tpu.memory_space<vmem_shared>>)
      tpu.yield
    }) : () -> ()
    %mul3A_15 = arith.constant 640 : i32
    %mul3A_16 = arith.muli %arg1, %mul3A_15 : i32
    "tpu.region"() ({
      %run_scoped3A_40 = tpu.sem_alloc : memref<!tpu.dma_semaphore, #tpu.memory_space<semaphore_mem>>
      %dma_start3A = tpu.memref_slice %arg9[%mul3A_16] : memref<10240xf32, #tpu.memory_space<vmem_shared>> -> memref<640xf32, #tpu.memory_space<vmem_shared>>
      %dma_start3A_41 = tpu.memref_slice %arg9[%mul3A_16] : memref<10240xf32, #tpu.memory_space<vmem_shared>> -> memref<640xf32, #tpu.memory_space<vmem_shared>>
      tpu.enqueue_dma source(%arg7 : memref<640xf32, #tpu.memory_space<vmem>>) target(%dma_start3A_41 : memref<640xf32, #tpu.memory_space<vmem_shared>>) target_semaphore(%run_scoped3A_40 : memref<!tpu.dma_semaphore, #tpu.memory_space<semaphore_mem>>)
      %dma_wait3A = tpu.memref_slice %arg9[%mul3A_16] : memref<10240xf32, #tpu.memory_space<vmem_shared>> -> memref<640xf32, #tpu.memory_space<vmem_shared>>
      %dma_wait3A_42 = tpu.memref_slice %arg9[%mul3A_16] : memref<10240xf32, #tpu.memory_space<vmem_shared>> -> memref<640xf32, #tpu.memory_space<vmem_shared>>
      tpu.wait_dma2 semaphore(%run_scoped3A_40 : memref<!tpu.dma_semaphore, #tpu.memory_space<semaphore_mem>>) src(%arg7 : memref<640xf32, #tpu.memory_space<vmem>>) dst(%dma_wait3A_42 : memref<640xf32, #tpu.memory_space<vmem_shared>>)
      tpu.yield
    }) : () -> ()
    %barrier3A = arith.constant 0 : index
    tpu.barrier barrier_id(%barrier3A)
    %scan3A_17 = arith.constant 0 : i32
    %scan3A_18 = arith.constant 0 : i32
    %scan3A_19 = arith.constant 80 : i32
    %scan3A_20 = arith.addi %scan3A_18, %scan3A_19 : i32
    %scan3A_21 = arith.constant 1 : i32
    scf.for %scan3A_40 = %scan3A_18 to %scan3A_20 step %scan3A_21  : i32 {
      %dma_start3A = arith.constant 0 : i32
      %dma_start3A_41 = tpu.memref_slice %arg6[%dma_start3A] : memref<128xf32, #tpu.memory_space<vmem>> -> memref<125xf32, #tpu.memory_space<vmem>>
      %dma_start3A_42 = arith.constant 0 : i32
      %dma_start3A_43 = tpu.memref_slice %arg4[%scan3A_40, %dma_start3A_42] : memref<80x125xi32, #tpu.memory_space<vmem>> -> memref<1x125xi32, #tpu.memory_space<vmem>>
      %dma_start3A_44 = tpu.memref_squeeze %dma_start3A_43 : memref<1x125xi32, #tpu.memory_space<vmem>> -> memref<125xi32, #tpu.memory_space<vmem>>
      %dma_start3A_45 = arith.constant 0 : i32
      %dma_start3A_46 = tpu.memref_slice %arg8[%dma_start3A_45] : memref<10240xf32, #tpu.memory_space<vmem_shared>> -> memref<10240xf32, #tpu.memory_space<vmem_shared>>
      tpu.enqueue_indirect_dma source(%dma_start3A_41 : memref<125xf32, #tpu.memory_space<vmem>>) target(%dma_start3A_46 : memref<10240xf32, #tpu.memory_space<vmem_shared>>) offsets(%dma_start3A_44 : memref<125xi32, #tpu.memory_space<vmem>>) semaphore(%arg10 : memref<!tpu.dma_semaphore, #tpu.memory_space<semaphore_mem>>) {add = true}
      %dma_start3A_47 = arith.constant 0 : i32
      %dma_start3A_48 = tpu.memref_slice %arg6[%dma_start3A_47] : memref<128xf32, #tpu.memory_space<vmem>> -> memref<125xf32, #tpu.memory_space<vmem>>
      %dma_start3A_49 = arith.constant 0 : i32
      %dma_start3A_50 = tpu.memref_slice %arg5[%scan3A_40, %dma_start3A_49] : memref<80x125xi32, #tpu.memory_space<vmem>> -> memref<1x125xi32, #tpu.memory_space<vmem>>
      %dma_start3A_51 = tpu.memref_squeeze %dma_start3A_50 : memref<1x125xi32, #tpu.memory_space<vmem>> -> memref<125xi32, #tpu.memory_space<vmem>>
      %dma_start3A_52 = arith.constant 0 : i32
      %dma_start3A_53 = tpu.memref_slice %arg9[%dma_start3A_52] : memref<10240xf32, #tpu.memory_space<vmem_shared>> -> memref<10240xf32, #tpu.memory_space<vmem_shared>>
      tpu.enqueue_indirect_dma source(%dma_start3A_48 : memref<125xf32, #tpu.memory_space<vmem>>) target(%dma_start3A_53 : memref<10240xf32, #tpu.memory_space<vmem_shared>>) offsets(%dma_start3A_51 : memref<125xi32, #tpu.memory_space<vmem>>) semaphore(%arg11 : memref<!tpu.dma_semaphore, #tpu.memory_space<semaphore_mem>>) {add = true}
    }
    %scan3A_22 = arith.constant 80 : i32
    %scan3A_23 = arith.constant 0 : i32
    %scan3A_24 = arith.constant 0 : i32
    %scan3A_25 = arith.constant 80 : i32
    %scan3A_26 = arith.addi %scan3A_24, %scan3A_25 : i32
    %scan3A_27 = arith.constant 1 : i32
    scf.for %scan3A_40 = %scan3A_24 to %scan3A_26 step %scan3A_27  : i32 {
      %dma_wait3A = arith.constant 0 : i32
      %dma_wait3A_41 = arith.constant 0 : i32
      %dma_wait3A_42 = tpu.memref_slice %arg6[%dma_wait3A_41] : memref<128xf32, #tpu.memory_space<vmem>> -> memref<125xf32, #tpu.memory_space<vmem>>
      %dma_wait3A_43 = arith.constant 0 : i32
      %dma_wait3A_44 = tpu.memref_slice %arg4[%dma_wait3A, %dma_wait3A_43] : memref<80x125xi32, #tpu.memory_space<vmem>> -> memref<1x125xi32, #tpu.memory_space<vmem>>
      %dma_wait3A_45 = tpu.memref_squeeze %dma_wait3A_44 : memref<1x125xi32, #tpu.memory_space<vmem>> -> memref<125xi32, #tpu.memory_space<vmem>>
      %dma_wait3A_46 = arith.constant 0 : i32
      %dma_wait3A_47 = tpu.memref_slice %arg8[%dma_wait3A_46] : memref<10240xf32, #tpu.memory_space<vmem_shared>> -> memref<10240xf32, #tpu.memory_space<vmem_shared>>
      tpu.wait_indirect_dma semaphore(%arg10 : memref<!tpu.dma_semaphore, #tpu.memory_space<semaphore_mem>>) src(%dma_wait3A_42 : memref<125xf32, #tpu.memory_space<vmem>>) dst(%dma_wait3A_47 : memref<10240xf32, #tpu.memory_space<vmem_shared>>)
      %dma_wait3A_48 = arith.constant 0 : i32
      %dma_wait3A_49 = arith.constant 0 : i32
      %dma_wait3A_50 = tpu.memref_slice %arg6[%dma_wait3A_49] : memref<128xf32, #tpu.memory_space<vmem>> -> memref<125xf32, #tpu.memory_space<vmem>>
      %dma_wait3A_51 = arith.constant 0 : i32
      %dma_wait3A_52 = tpu.memref_slice %arg5[%dma_wait3A_48, %dma_wait3A_51] : memref<80x125xi32, #tpu.memory_space<vmem>> -> memref<1x125xi32, #tpu.memory_space<vmem>>
      %dma_wait3A_53 = tpu.memref_squeeze %dma_wait3A_52 : memref<1x125xi32, #tpu.memory_space<vmem>> -> memref<125xi32, #tpu.memory_space<vmem>>
      %dma_wait3A_54 = arith.constant 0 : i32
      %dma_wait3A_55 = tpu.memref_slice %arg9[%dma_wait3A_54] : memref<10240xf32, #tpu.memory_space<vmem_shared>> -> memref<10240xf32, #tpu.memory_space<vmem_shared>>
      tpu.wait_indirect_dma semaphore(%arg11 : memref<!tpu.dma_semaphore, #tpu.memory_space<semaphore_mem>>) src(%dma_wait3A_50 : memref<125xf32, #tpu.memory_space<vmem>>) dst(%dma_wait3A_55 : memref<10240xf32, #tpu.memory_space<vmem_shared>>)
    }
    %scan3A_28 = arith.constant 80 : i32
    %barrier3A_29 = arith.constant 0 : index
    tpu.barrier barrier_id(%barrier3A_29)
    %mul3A_30 = arith.constant 640 : i32
    %mul3A_31 = arith.muli %arg1, %mul3A_30 : i32
    %mul3A_32 = arith.constant 640 : i32
    %mul3A_33 = arith.muli %arg1, %mul3A_32 : i32
    %run_scoped3A_34 = arith.constant 0 : i32
    "tpu.region"() ({
      %run_scoped3A_40 = tpu.sem_alloc : memref<!tpu.dma_semaphore, #tpu.memory_space<semaphore_mem>>
      %dma_start3A = tpu.memref_slice %arg3[%arg0, %run_scoped3A_34, %mul3A_33] : memref<2x2x10240xf32, #tpu.memory_space<hbm>> -> memref<1x1x640xf32, #tpu.memory_space<hbm>>
      %dma_start3A_41 = tpu.memref_squeeze %dma_start3A : memref<1x1x640xf32, #tpu.memory_space<hbm>> -> memref<640xf32, #tpu.memory_space<hbm>>
      %dma_start3A_42 = tpu.memref_slice %arg8[%mul3A_31] : memref<10240xf32, #tpu.memory_space<vmem_shared>> -> memref<640xf32, #tpu.memory_space<vmem_shared>>
      tpu.enqueue_dma source(%dma_start3A_42 : memref<640xf32, #tpu.memory_space<vmem_shared>>) target(%dma_start3A_41 : memref<640xf32, #tpu.memory_space<hbm>>) target_semaphore(%run_scoped3A_40 : memref<!tpu.dma_semaphore, #tpu.memory_space<semaphore_mem>>)
      %dma_wait3A = tpu.memref_slice %arg3[%arg0, %run_scoped3A_34, %mul3A_33] : memref<2x2x10240xf32, #tpu.memory_space<hbm>> -> memref<1x1x640xf32, #tpu.memory_space<hbm>>
      %dma_wait3A_43 = tpu.memref_squeeze %dma_wait3A : memref<1x1x640xf32, #tpu.memory_space<hbm>> -> memref<640xf32, #tpu.memory_space<hbm>>
      %dma_wait3A_44 = tpu.memref_slice %arg8[%mul3A_31] : memref<10240xf32, #tpu.memory_space<vmem_shared>> -> memref<640xf32, #tpu.memory_space<vmem_shared>>
      tpu.wait_dma2 semaphore(%run_scoped3A_40 : memref<!tpu.dma_semaphore, #tpu.memory_space<semaphore_mem>>) src(%dma_wait3A_44 : memref<640xf32, #tpu.memory_space<vmem_shared>>) dst(%dma_wait3A_43 : memref<640xf32, #tpu.memory_space<hbm>>)
      tpu.yield
    }) : () -> ()
    %mul3A_35 = arith.constant 640 : i32
    %mul3A_36 = arith.muli %arg1, %mul3A_35 : i32
    %mul3A_37 = arith.constant 640 : i32
    %mul3A_38 = arith.muli %arg1, %mul3A_37 : i32
    %run_scoped3A_39 = arith.constant 1 : i32
    "tpu.region"() ({
      %run_scoped3A_40 = tpu.sem_alloc : memref<!tpu.dma_semaphore, #tpu.memory_space<semaphore_mem>>
      %dma_start3A = tpu.memref_slice %arg3[%arg0, %run_scoped3A_39, %mul3A_38] : memref<2x2x10240xf32, #tpu.memory_space<hbm>> -> memref<1x1x640xf32, #tpu.memory_space<hbm>>
      %dma_start3A_41 = tpu.memref_squeeze %dma_start3A : memref<1x1x640xf32, #tpu.memory_space<hbm>> -> memref<640xf32, #tpu.memory_space<hbm>>
      %dma_start3A_42 = tpu.memref_slice %arg9[%mul3A_36] : memref<10240xf32, #tpu.memory_space<vmem_shared>> -> memref<640xf32, #tpu.memory_space<vmem_shared>>
      tpu.enqueue_dma source(%dma_start3A_42 : memref<640xf32, #tpu.memory_space<vmem_shared>>) target(%dma_start3A_41 : memref<640xf32, #tpu.memory_space<hbm>>) target_semaphore(%run_scoped3A_40 : memref<!tpu.dma_semaphore, #tpu.memory_space<semaphore_mem>>)
      %dma_wait3A = tpu.memref_slice %arg3[%arg0, %run_scoped3A_39, %mul3A_38] : memref<2x2x10240xf32, #tpu.memory_space<hbm>> -> memref<1x1x640xf32, #tpu.memory_space<hbm>>
      %dma_wait3A_43 = tpu.memref_squeeze %dma_wait3A : memref<1x1x640xf32, #tpu.memory_space<hbm>> -> memref<640xf32, #tpu.memory_space<hbm>>
      %dma_wait3A_44 = tpu.memref_slice %arg9[%mul3A_36] : memref<10240xf32, #tpu.memory_space<vmem_shared>> -> memref<640xf32, #tpu.memory_space<vmem_shared>>
      tpu.wait_dma2 semaphore(%run_scoped3A_40 : memref<!tpu.dma_semaphore, #tpu.memory_space<semaphore_mem>>) src(%dma_wait3A_44 : memref<640xf32, #tpu.memory_space<vmem_shared>>) dst(%dma_wait3A_43 : memref<640xf32, #tpu.memory_space<hbm>>)
      tpu.yield
    }) : () -> ()
    return
  }
}

module attributes {stable_mosaic.version = 14 : i64} {
  func.func @_norm_body(%arg0: memref<2x2x10240xf32, #tpu.memory_space<vmem>>, %arg1: memref<10000x128xf32, #tpu.memory_space<vmem>>, %arg2: memref<10000x128xf32, #tpu.memory_space<vmem>>, %arg3: memref<10000x128xf32, #tpu.memory_space<vmem>>) attributes {dimension_semantics = [], scalar_prefetch = 0 : i64, scratch_operands = 0 : i64, tpu.core_type = #tpu.core_type<tc>} {
    %get3A = arith.constant 0 : index
    %get3A_0 = arith.constant 0 : index
    %get3A_1 = arith.constant 0 : index
    %get3A_2 = vector.load %arg0[%get3A, %get3A_0, %get3A_1] : memref<2x2x10240xf32, #tpu.memory_space<vmem>>, vector<2x2x10240xf32>
    %slice3A = vector.extract_strided_slice %get3A_2 {offsets = [0, 0, 0], sizes = [1, 1, 10000], strides = [1, 1, 1]} : vector<2x2x10240xf32> to vector<1x1x10000xf32>
    %squeeze3A = vector.shape_cast %slice3A : vector<1x1x10000xf32> to vector<10000xf32>
    %slice3A_3 = vector.extract_strided_slice %get3A_2 {offsets = [1, 0, 0], sizes = [1, 1, 10000], strides = [1, 1, 1]} : vector<2x2x10240xf32> to vector<1x1x10000xf32>
    %squeeze3A_4 = vector.shape_cast %slice3A_3 : vector<1x1x10000xf32> to vector<10000xf32>
    %add3A = arith.addf %squeeze3A, %squeeze3A_4 : vector<10000xf32>
    %slice3A_5 = vector.extract_strided_slice %get3A_2 {offsets = [0, 1, 0], sizes = [1, 1, 10000], strides = [1, 1, 1]} : vector<2x2x10240xf32> to vector<1x1x10000xf32>
    %squeeze3A_6 = vector.shape_cast %slice3A_5 : vector<1x1x10000xf32> to vector<10000xf32>
    %slice3A_7 = vector.extract_strided_slice %get3A_2 {offsets = [1, 1, 0], sizes = [1, 1, 10000], strides = [1, 1, 1]} : vector<2x2x10240xf32> to vector<1x1x10000xf32>
    %squeeze3A_8 = vector.shape_cast %slice3A_7 : vector<1x1x10000xf32> to vector<10000xf32>
    %add3A_9 = arith.addf %squeeze3A_6, %squeeze3A_8 : vector<10000xf32>
    %max3A = arith.constant 1.000000e+00 : f32
    %max3A_10 = vector.broadcast %max3A : f32 to vector<10000xf32>
    %max3A_11 = arith.maximumf %add3A, %max3A_10 : vector<10000xf32>
    %rsqrt3A = math.rsqrt %max3A_11 : vector<10000xf32>
    %max3A_12 = arith.constant 1.000000e+00 : f32
    %max3A_13 = vector.broadcast %max3A_12 : f32 to vector<10000xf32>
    %max3A_14 = arith.maximumf %add3A_9, %max3A_13 : vector<10000xf32>
    %rsqrt3A_15 = math.rsqrt %max3A_14 : vector<10000xf32>
    %get3A_16 = arith.constant 0 : index
    %get3A_17 = arith.constant 0 : index
    %get3A_18 = vector.load %arg1[%get3A_16, %get3A_17] : memref<10000x128xf32, #tpu.memory_space<vmem>>, vector<10000x128xf32>
    %broadcast_in_dim3A = vector.shape_cast %rsqrt3A : vector<10000xf32> to vector<10000x1xf32>
    %mul3A = vector.broadcast %broadcast_in_dim3A : vector<10000x1xf32> to vector<10000x128xf32>
    %mul3A_19 = arith.mulf %get3A_18, %mul3A : vector<10000x128xf32>
    %swap3A = arith.constant 0 : index
    %swap3A_20 = arith.constant 0 : index
    %swap3A_21 = vector.load %arg2[%swap3A, %swap3A_20] : memref<10000x128xf32, #tpu.memory_space<vmem>>, vector<10000x128xf32>
    tpu.vector_store %arg2[%swap3A, %swap3A_20], %mul3A_19 {strides = array<i32>} : memref<10000x128xf32, #tpu.memory_space<vmem>>, vector<10000x128xf32>,
    %broadcast_in_dim3A_22 = vector.shape_cast %rsqrt3A_15 : vector<10000xf32> to vector<10000x1xf32>
    %broadcast_in_dim3A_23 = vector.shape_cast %broadcast_in_dim3A_22 : vector<10000x1xf32> to vector<10000x1xf32>
    %broadcast_in_dim3A_24 = vector.broadcast %broadcast_in_dim3A_23 : vector<10000x1xf32> to vector<10000x128xf32>
    %swap3A_25 = arith.constant 0 : index
    %swap3A_26 = arith.constant 0 : index
    %swap3A_27 = vector.load %arg3[%swap3A_25, %swap3A_26] : memref<10000x128xf32, #tpu.memory_space<vmem>>, vector<10000x128xf32>
    tpu.vector_store %arg3[%swap3A_25, %swap3A_26], %broadcast_in_dim3A_24 {strides = array<i32>} : memref<10000x128xf32, #tpu.memory_space<vmem>>, vector<10000x128xf32>,
    return
  }
}

module attributes {stable_mosaic.version = 14 : i64} {
  func.func @_out_body(%arg0: i32, %arg1: memref<2x1000x128xf32, #tpu.memory_space<vmem>>, %arg2: memref<1000x128xf32, #tpu.memory_space<vmem>>, %arg3: memref<128x128xf32, #tpu.memory_space<vmem>>, %arg4: memref<1x128xf32, #tpu.memory_space<vmem>>, %arg5: memref<1000x128xf32, #tpu.memory_space<vmem>>) attributes {dimension_semantics = [#tpu.dimension_semantics<arbitrary>], iteration_bounds = array<i64: 10>, scalar_prefetch = 0 : i64, scratch_operands = 0 : i64, tpu.core_type = #tpu.core_type<tc>, window_params = [{transform_indices = @transform_0, window_bounds = array<i64: 2, 1000, 128>}, {transform_indices = @transform_1, window_bounds = array<i64: 1000, 128>}, {pipeline_mode = #tpu.pipeline_mode<synchronous>, transform_indices = @transform_2, window_bounds = array<i64: 128, 128>}, {pipeline_mode = #tpu.pipeline_mode<synchronous>, transform_indices = @transform_3, window_bounds = array<i64: 1, 128>}, {transform_indices = @transform_4, window_bounds = array<i64: 1000, 128>}]} {
    %get3A = arith.constant 0 : index
    %get3A_0 = arith.constant 0 : index
    %get3A_1 = arith.constant 0 : index
    %get3A_2 = vector.load %arg1[%get3A, %get3A_0, %get3A_1] : memref<2x1000x128xf32, #tpu.memory_space<vmem>>, vector<1x1000x128xf32>
    %get3A_3 = vector.shape_cast %get3A_2 : vector<1x1000x128xf32> to vector<1000x128xf32>
    %get3A_4 = arith.constant 1 : index
    %get3A_5 = arith.constant 0 : index
    %get3A_6 = arith.constant 0 : index
    %get3A_7 = vector.load %arg1[%get3A_4, %get3A_5, %get3A_6] : memref<2x1000x128xf32, #tpu.memory_space<vmem>>, vector<1x1000x128xf32>
    %get3A_8 = vector.shape_cast %get3A_7 : vector<1x1000x128xf32> to vector<1000x128xf32>
    %add3A = arith.addf %get3A_3, %get3A_8 : vector<1000x128xf32>
    %get3A_9 = arith.constant 0 : index
    %get3A_10 = arith.constant 0 : index
    %get3A_11 = vector.load %arg2[%get3A_9, %get3A_10] : memref<1000x128xf32, #tpu.memory_space<vmem>>, vector<1000x128xf32>
    %mul3A = arith.mulf %add3A, %get3A_11 : vector<1000x128xf32>
    %get3A_12 = arith.constant 0 : index
    %get3A_13 = arith.constant 0 : index
    %get3A_14 = vector.load %arg3[%get3A_12, %get3A_13] : memref<128x128xf32, #tpu.memory_space<vmem>>, vector<128x128xf32>
    %dot_general3A = arith.constant dense<0.000000e+00> : vector<1000x128xf32>
    %dot_general3A_15 = tpu.matmul %mul3A, %get3A_14, %dot_general3A {dimension_numbers = #tpu.dot_dimension_numbers<[1], [0], [0], [1], [0, 0, 1, 1], [], []>, transpose_lhs_hint = false} : vector<1000x128xf32>, vector<128x128xf32>, vector<1000x128xf32> -> vector<1000x128xf32>
    %get3A_16 = arith.constant 0 : index
    %get3A_17 = arith.constant 0 : index
    %get3A_18 = vector.load %arg4[%get3A_16, %get3A_17] : memref<1x128xf32, #tpu.memory_space<vmem>>, vector<1x128xf32>
    %add3A_19 = vector.broadcast %get3A_18 : vector<1x128xf32> to vector<1000x128xf32>
    %add3A_20 = arith.addf %dot_general3A_15, %add3A_19 : vector<1000x128xf32>
    %swap3A = arith.constant 0 : index
    %swap3A_21 = arith.constant 0 : index
    %swap3A_22 = vector.load %arg5[%swap3A, %swap3A_21] : memref<1000x128xf32, #tpu.memory_space<vmem>>, vector<1000x128xf32>
    tpu.vector_store %arg5[%swap3A, %swap3A_21], %add3A_20 {strides = array<i32>} : memref<1000x128xf32, #tpu.memory_space<vmem>>, vector<1000x128xf32>,
    return
  }
  func.func @transform_0(%arg0: i32) -> (i32, i32, i32) {
    %c0_i32 = arith.constant 0 : i32
    %c0_i32_0 = arith.constant 0 : i32
    %c0_i32_1 = arith.constant 0 : i32
    return %c0_i32, %arg0, %c0_i32_0 : i32, i32, i32
  }
  func.func @transform_1(%arg0: i32) -> (i32, i32) {
    %c0_i32 = arith.constant 0 : i32
    %c0_i32_0 = arith.constant 0 : i32
    return %arg0, %c0_i32 : i32, i32
  }
  func.func @transform_2(%arg0: i32) -> (i32, i32) {
    %c0_i32 = arith.constant 0 : i32
    %c0_i32_0 = arith.constant 0 : i32
    %c0_i32_1 = arith.constant 0 : i32
    return %c0_i32, %c0_i32_0 : i32, i32
  }
  func.func @transform_3(%arg0: i32) -> (i32, i32) {
    %c0_i32 = arith.constant 0 : i32
    %c0_i32_0 = arith.constant 0 : i32
    %c0_i32_1 = arith.constant 0 : i32
    return %c0_i32, %c0_i32_0 : i32, i32
  }
  func.func @transform_4(%arg0: i32) -> (i32, i32) {
    %c0_i32 = arith.constant 0 : i32
    %c0_i32_0 = arith.constant 0 : i32
    return %arg0, %c0_i32 : i32, i32
  }
}

</mosaic_0001>

<sc_bundles>
// kernel: kernel.6.cloned.1.call-start
scs
__scs_entry_jumppad:
0x0: {  	(pc) =	sbr.rel $0x88, $3  }
0x1: {  	(tag) =	ssettag $0x0;
	lr =	simm.s32 $0x1  }
0x2: {  	[smem:$0x3F9D] =	sst lr;
	_ =	strace $0xD0000000  }
0x3: {  	_ = 	snop  }
0x4: {  	_ = 	snop  }
0x5: {  	_ = 	snop  }
0x6: {  	_ = 	snop  }
0x7: {  	_ = 	snop  }
__scs_overlays_trampoline_lowered:
0x8: {  	[smem:$0x3FAC] =	sst s0  }
0x9: {  	[smem:$0x3FAD] =	sst s1  }
0xa: {  	[smem:$0x3FAE] =	sst s2  }
0xb: {  	[smem:$0x3FAF] =	sst s3  }
0xc: {  	[smem:$0x3FB0] =	sst s4  }
0xd: {  	[smem:$0x3FB1] =	sst s5  }
0xe: {  	[smem:$0x3FB2] =	sst s6  }
0xf: {  	[smem:$0x3FB3] =	sst s7  }
0x10: {  	[smem:$0x3FB4] =	sst s8  }
0x11: {  	[smem:$0x3FB5] =	sst s9;
	s0 =	simm.s32 @!p0 $0x0  }
0x12: {  	s1 =	sld [smem:$0x3F9B];
	s0 =	simm.s32 @p0 $0x1  }
0x13: {  	[smem:$0x3FB6] =	sst s0;
	s0 =	simm.s32 @!p1 $0x0  }
0x14: {  	s2 =	sld [smem:$0x3F9A];
	s0 =	simm.s32 @p1 $0x1  }
0x15: {  	[smem:$0x3FB7] =	sst s0;
	s0 =	simm.s32 @!p2 $0x0  }
0x16: {  	s3 =	sld [smem:$0x3FDB];
	s0 =	simm.s32 @p2 $0x1  }
0x17: {  	s4 =	simm.s32 $0x1BF5;
	[smem:$0x3FB9] =	sst s0  }
0x18: {  	s0 =	sld [smem:$0x3F9C];
	_ =	swait.ge [sflag:s4], $0x0  }
0x19: {  	s7 =	sld [smem:$0x3F9D]  }
0x1a: {  	s8 =	sadd.s32 $0xFFFFE003, lr  }
0x1b: {  	s9 =	sadd.s32 $0xFFFFFEF7, lr;
	s5 =	simm.s32 $0xFFFFFFFF;
	p2 =	slt.u32 s8, $0xFFFFF086  }
0x1c: {  	p1 =	slt.u32 s9, $0xF7A;
	s5 =	simm.s32 @!p2 $0x0  }
0x1d: {  	s5 =	simm.s32 @p1 $0x1;
	p0 =	seq.s32 s7, s2  }
0x1e: {  	s7 =	smul.u32 @!p0 $0xF7A, s2;
	p2 =	seq.s32 @!p0 s5, $0x0  }
0x1f: {  	s9 =	smul.u32 $0xF7A, s1;
	s8 =	simm.s32 @!p0 $0x1BF5;
	p2 =	por !p2, p0  }
0x20: {  	[sflag:s8] =	ssyncset.s32 @!p0 $0xFFFFF086;
	s6 =	sadd.s32 @!p0 s3, s7;
	s7 =	simm.s32 @!p0 $0x108  }
0x21: {  	s3 =	sadd.s32 s3, s9;
	s6 =	sadd.s32 @!p0 $0x88, s6;
	s7 =	simm.s32 @p2 $0x1082  }
0x22: {  	[simem:s7], [sflag:s8] =	dma.local @!p0 [hbm:s6], $0xF7A  }
0x23: {  	s9 =	sor.u32 $0xD0000000, s2;
	s6 =	simm.s32 $0x108;
	_ =	swait.ge @!p0 [sflag:s8], $0x0  }
0x24: {  	s3 =	sadd.s32 $0x88, s3;
	s6 =	simm.s32 @!p1 $0x1082;
	[sflag:s4] =	ssyncset.s32 $0xFFFFF086  }
0x25: {  	[simem:s6], [sflag:s4] =	dma.local [hbm:s3], $0xF7A  }
0x26: {  	[smem:$0x3F9D] =	sst s1;
	(tag) =	ssettag s2;
	_ =	strace s9  }
0x27: {  	s1 =	sld [smem:$0x3FAD]  }
0x28: {  	s2 =	sld [smem:$0x3FAE]  }
0x29: {  	s4 =	sld [smem:$0x3FB0]  }
0x2a: {  	p0 =	seq.s32 s5, $0x0;
	s5 =	sld [smem:$0x3FB1]  }
0x2b: {  	s6 =	sld [smem:$0x3FB2]  }
0x2c: {  	s7 =	sld [smem:$0x3FB3]  }
0x2d: {  	s3 =	simm.s32 $0x108;
	s8 =	sld [smem:$0x3FB4]  }
0x2e: {  	s3 =	simm.s32 @!p0 $0x1082;
	s9 =	sld [smem:$0x3FB5]  }
0x2f: {  	lr =	sadd.s32 s0, s3;
	s0 =	sld [smem:$0x3FAC]  }
0x30: {  	s3 =	sld [smem:$0x3FAF]  }
0x31: {  	[smem:$0x3FB8] =	sst s10  }
0x32: {  	s10 =	sld [smem:$0x3FB6];
	_ =	sdelay $0x3  }
0x33: {  	p0 =	seq.s32 s10, $0x1;
	s10 =	sld [smem:$0x3FB8];
	_ =	sdelay $0x3  }
0x34: {  	[smem:$0x3FB8] =	sst s10  }
0x35: {  	s10 =	sld [smem:$0x3FB7];
	_ =	sdelay $0x3  }
0x36: {  	p1 =	seq.s32 s10, $0x1;
	s10 =	sld [smem:$0x3FB8];
	_ =	sdelay $0x3  }
0x37: {  	[smem:$0x3FB8] =	sst s10  }
0x38: {  	s10 =	sld [smem:$0x3FB9]  }
0x39: {  	_ = 	snop;
	(pc) =	sbr.ind lr, $3  }
0x3a: {  	_ = 	snop  }
0x3b: {  	_ = 	snop  }
0x3c: {  	p2 =	seq.s32 s10, $0x1;
	s10 =	sld [smem:$0x3FB8]  }
0x3d: {  	_ =	shalt  }
0x3e: {  	_ =	shalt  }
0x3f: {  	_ =	shalt  }
0x40: {  	_ =	shalt  }
0x41: {  	_ =	shalt  }
0x42: {  	_ =	shalt  }
0x43: {  	_ =	shalt  }
0x44: {  	_ =	shalt  }
0x45: {  	_ =	shalt  }
0x46: {  	_ =	shalt  }
0x47: {  	_ =	shalt  }
0x48: {  	_ =	shalt  }
0x49: {  	_ =	shalt  }
0x4a: {  	_ =	shalt  }
0x4b: {  	_ =	shalt  }
0x4c: {  	_ =	shalt  }
0x4d: {  	_ =	shalt  }
0x4e: {  	_ =	shalt  }
0x4f: {  	_ =	shalt  }
0x50: {  	_ =	shalt  }
0x51: {  	_ =	shalt  }
0x52: {  	_ =	shalt  }
0x53: {  	_ =	shalt  }
0x54: {  	_ =	shalt  }
0x55: {  	_ =	shalt  }
0x56: {  	_ =	shalt  }
0x57: {  	_ =	shalt  }
0x58: {  	_ =	shalt  }
0x59: {  	_ =	shalt  }
0x5a: {  	_ =	shalt  }
0x5b: {  	_ =	shalt  }
0x5c: {  	_ =	shalt  }
0x5d: {  	_ =	shalt  }
0x5e: {  	_ =	shalt  }
0x5f: {  	_ =	shalt  }
0x60: {  	_ =	shalt  }
0x61: {  	_ =	shalt  }
0x62: {  	_ =	shalt  }
0x63: {  	_ =	shalt  }
0x64: {  	_ =	shalt  }
0x65: {  	_ =	shalt  }
0x66: {  	_ =	shalt  }
0x67: {  	_ =	shalt  }
0x68: {  	_ =	shalt  }
0x69: {  	_ =	shalt  }
0x6a: {  	_ =	shalt  }
0x6b: {  	_ =	shalt  }
0x6c: {  	_ =	shalt  }
0x6d: {  	_ =	shalt  }
0x6e: {  	_ =	shalt  }
0x6f: {  	_ =	shalt  }
0x70: {  	_ =	shalt  }
0x71: {  	_ =	shalt  }
0x72: {  	_ =	shalt  }
0x73: {  	_ =	shalt  }
0x74: {  	_ =	shalt  }
0x75: {  	_ =	shalt  }
0x76: {  	_ =	shalt  }
0x77: {  	_ =	shalt  }
0x78: {  	_ =	shalt  }
0x79: {  	_ =	shalt  }
0x7a: {  	_ =	shalt  }
0x7b: {  	_ =	shalt  }
0x7c: {  	_ =	shalt  }
0x7d: {  	_ =	shalt  }
0x7e: {  	_ =	shalt  }
0x7f: {  	_ =	shalt  }
0x80: {  	_ =	shalt  }
0x81: {  	_ =	shalt  }
0x82: {  	_ =	shalt  }
0x83: {  	_ =	shalt  }
0x84: {  	_ =	shalt  }
0x85: {  	_ =	shalt  }
0x86: {  	_ =	shalt  }
0x87: {  	_ =	shalt  }
.Lfunc_end0:
.L_simem_size_0:
called_computation_lowered:
.L_overlay_start_0:
0x88: {  	s2 =	sld [smem:$0x3FD9]  }
0x89: {  	s3 =	sld [smem:$0x3FFE];
	_ =	sdelay $0x1  }
0x8a: {  	s1 =	srdreg.scid  }
0x8b: {  	s0 =	sand.u32 $0x1, s1  }
0x8c: {  	s17 =	sshll.u32 s0, $0xA;
	s2 =	sadd.s32 s3, s2  }
0x8d: {  	s2 =	sadd.s32 s2, s17  }
0x8e: {  	[smem:$0x3FC4] =	sst s2  }
0x8f: {  	_ = 	snop  }
0x90: {  	s2 =	sld [smem:$0x3FD0];
	(tm) =	ssettm $0x1  }
0x91: {  	s18 =	sld [smem:$0x3FFB];
	_ =	sdelay $0x3  }
0x92: {  	_ =	strace s18  }
0x93: {  	s3 =	sld [smem:$0x3FFC];
	_ =	sdelay $0x3  }
0x94: {  	_ =	strace s3  }
0x95: {  	s3 =	sld [smem:$0x3FFD];
	_ =	sdelay $0x3  }
0x96: {  	_ =	strace s3  }
0x97: {  	_ =	strace $0x8FFFFFFF  }
0x98: {  	s19 =	sld [smem:$0x3FDB];
	_ =	sdelay $0x1  }
0x99: {  	s4 =	simm.s32 $_scs_section_size  }
0x9a: {  	s5 =	simm.s32 $_size__tile_overlayer_lowered;
	s6 =	simm.s32 $_tile_overlayer_lowered  }
0x9b: {  	s22 =	simm.s32 $0x1BFF;
	s21 =	sshll.u32 s6, $0x1;
	s3 =	sadd.s32 s4, s19  }
0x9c: {  	s7 =	simm.s32 $0x0;
	s20 =	sshll.u32 s5, $0x1;
	s5 =	sadd.s32 s21, s3  }
0x9d: {  	[timem:s7], [sflag:s22] =	dma.local [hbm:s5], s20  }
0x9e: {  	_ =	swait.ge [sflag:s22], s20  }
0x9f: {  	s4 =	ssub.s32 $0x0, s20;
	[sflag:s22] =	ssyncset.done $0x0  }
0xa0: {  	[sflag:s22] =	ssyncadd.s32 s4;
	_ =	sdelay $0x1  }
0xa1: {  	s23 =	simm.s32 $0x1B8B  }
0xa2: {  	_ =	swait.ge [sflag:s23], $0x1  }
0xa3: {  	[sflag:s23] =	ssyncset.done $0x0  }
0xa4: {  	s25 =	simm.s32 $0x1B8E;
	s24 =	sld [smem:$0x3FFE];
	[sflag:s23] =	ssyncadd.s32 $0xFFFFFFFF  }
0xa5: {  	s26 =	simm.s32 $execute0_lowered;
	[smem:$0x3FD2] =	sst s25  }
0xa6: {  	s5 =	sshll.u32 s26, $0x1;
	_ =	strace $0x80000046;
	[dreg:$0x1] =	wrdreg $0xFFFFFFFF  }
0xa7: {  	s28 =	simm.s32 $_size_execute0_lowered;
	s3 =	sadd.s32 s3, s5;
	[dreg:$0x0] =	wrdreg $0x0  }
0xa8: {  	s5 =	sshll.u32 s28, $0x1;
	[dreg:$0x2] =	wrdreg s3  }
0xa9: {  	[dreg:$0x3] =	wrdreg s5  }
0xaa: {  	[dreg:$0x4] =	wrdreg $0xC0  }
0xab: {  	_ =	task [dreg:s7], $0x5FFFF  }
0xac: {  	[dreg:$0x1] =	wrdreg $0xFFFFFFFF  }
0xad: {  	[dreg:$0x0] =	wrdreg $0x60  }
0xae: {  	[dreg:$0x2] =	wrdreg s2  }
0xaf: {  	[dreg:$0x3] =	wrdreg s24  }
0xb0: {  	[dreg:$0x4] =	wrdreg $0x53000  }
0xb1: {  	[dreg:$0x5] =	wrdreg $0x55800  }
0xb2: {  	[dreg:$0x6] =	wrdreg $0x9  }
0xb3: {  	_ =	task.clear_ibuf [dreg:s7], $0x7FFFF;
	_ =	strace $0x90000046  }
0xb4: {  	s29 =	simm.s32 $0x9;
	_ =	strace $0x80000048  }
0xb5: {  	_ =	swait.ge [sflag:s29], $0x1  }
0xb6: {  	[sflag:s29] =	ssyncadd.s32 $0xFFFFFFFF  }
0xb7: {  	_ =	strace $0x90000048  }
0xb8: {  	_ =	sfence  }
0xb9: {  	s30 =	sld [smem:$0x0];
	_ =	sdelay $0x2  }
0xba: {  	s31 =	sshll.u32 s1, $0xD;
	s1 =	sshrl.u32 s1, $0x2  }
0xbb: {  	s3 =	sand.u32 $0x4000, s31;
	s1 =	sadd.s32 s1, s30  }
0xbc: {  	s0 =	sor.u32 s3, s0;
	s1 =	sshll.u32 s1, $0x11  }
0xbd: {  	s0 =	sor.u32 s1, s0  }
0xbe: {  	s0 =	sadd.s32 $0x8F2B, s0  }
0xbf: {  	[sflag:s0] =	ssyncadd.remote.s32 $0x1  }
0xc0: {  	_ =	sfence.sel $0xFFFF  }
0xc1: {  	[dreg:$0x0] =	wrdreg $0xFFFFFFFF;
	(pc) =	sbr.abs _section_cstart, $3  }
0xc2: {  	[dreg:$0x1] =	wrdreg $0xFFFFFFFF  }
0xc3: {  	_ =	task.clear_ibuf [dreg:s7], $0x2FFFF;
	_ =	strace $0x9FFFFFFF  }
0xc4: {  	(tm) =	ssettm $0x7FFFFFFF  }
0xc5: {  	_ =	shalt  }
tec
execute0_lowered:
.L_overlay_start_1:
0x0: {  	(tag) =	ssettag $0x1  }
0x1: {  	s5 =	rddreg [dreg:$0x0]  }
0x2: {  	s6 =	rddreg [dreg:$0x1]  }
0x3: {  	s2 =	rddreg [dreg:$0x2]  }
0x4: {  	s0 =	srdreg.scid;
	s3 =	rddreg [dreg:$0x3]  }
0x5: {  	s1 =	stileid.u32;
	s4 =	simm.s32 $0x0;
	s13 =	simm.s32 $0x2800  }
0x6: {  	s14 =	simm.s32 $0x5080;
	s15 =	simm.s32 $0x7D;
	s16 =	simm.s32 $0x5000  }
0x7: {  	s17 =	simm.s32 $0x1;
	s18 =	simm.s32 $0x2;
	s21 =	simm.s32 $0x20  }
0x8: {  	s22 =	simm.s32 $0x10;
	s23 =	simm.s32 $0x0;
	s7 =	sand.u32 $0x1, s0  }
0x9: {  	s0 =	rddreg [dreg:$0x4];
	s9 =	sshll.u32 s1, $0x1;
	s10 =	smul.u32 $0x500, s1  }
0xa: {  	[smem:$0x7FF] =	sst s4;
	s31 =	smul.u32 $0x280, s1;
	s19 =	sshll.u32 s1, $0x6  }
0xb: {  	s8 =	smul.u32 $0x5000, s7;
	s9 =	sor.u32 s7, s9;
	s7 =	ssub.s32 $0x2, s7  }
0xc: {  	_ =	strace $0x80000047;
	s9 =	smul.u32 $0x2800, s9;
	s30 =	sshrl.u32 s7, $0x1  }
0xd: {  	s19 =	sor.u32 $0x1C03, s19;
	s8 =	sadd.s32 s10, s8;
	s12 =	ssub.s32 s7, s30  }
0xe: {  	s7 =	sadd.s32 s31, s2;
	s8 =	sshrl.u32 s8, $0x3;
	s9 =	sshrl.u32 s9, $0x3  }
0xf: {  	s20 =	sshrl.u32 s7, $0x3;
	s5 =	sadd.s32 s5, s9;
	s11 =	sadd.s32 s8, s6  }
0x10: {  	s8 =	sadd.s32 s31, s3;
	s6 =	sadd.s32 $0xA000, s5;
	s9 =	sadd.s32 $0x1E00, s11  }
0x11: {  	v0 =	vimm.f32 $1.000000000e+00;
	v1 =	vimm.f32 $0.0e+00;
	s10 =	sadd.s32 $0x1E10, s11;
	s11 =	smax.u32 s12, $0x1;
	s12 =	simm.s32 $0x3  }
.LBB2_1:
0x12: {  	[tilespmem:s4], [sflag:$0x3] =	stream.linear.gather [hbm4b:s5+s4], $0x2800, $0x38;
	[tilespmem:$0x5800] =	vst v63  }
0x13: {  	_ =	swait.ge [sflag:s12], $0x2800  }
0x14: {  	[sflag:s12] =	ssyncset.done $0x0  }
0x15: {  	[sflag:s12] =	ssyncadd.s32 $0xFFFFD800  }
0x16: {  	[tilespmem:s13], [sflag:$0x3] =	stream.linear.gather [hbm4b:s6+s4], $0x2800, $0x38;
	[tilespmem:$0x5800] =	vst v63  }
0x17: {  	_ =	swait.ge [sflag:s12], $0x2800  }
0x18: {  	[sflag:s12] =	ssyncset.done $0x0  }
0x19: {  	[sflag:s12] =	ssyncadd.s32 $0xFFFFD800  }
0x1a: {  	[tilespmem:$0x5000] =	vst v0  }
0x1b: {  	[tilespmem:$0x5010] =	vst v0  }
0x1c: {  	[tilespmem:$0x5020] =	vst v0  }
0x1d: {  	[tilespmem:$0x5030] =	vst v0  }
0x1e: {  	[tilespmem:$0x5040] =	vst v0  }
0x1f: {  	[tilespmem:$0x5050] =	vst v0  }
0x20: {  	[tilespmem:$0x5060] =	vst v0  }
0x21: {  	[tilespmem:$0x5070] =	vst v0  }
0x22: {  	[tilespmem:$0x5080] =	vst v1  }
0x23: {  	[tilespmem:$0x5090] =	vst v1  }
0x24: {  	[tilespmem:$0x50A0] =	vst v1  }
0x25: {  	[tilespmem:$0x50B0] =	vst v1  }
0x26: {  	[tilespmem:$0x50C0] =	vst v1  }
0x27: {  	[tilespmem:$0x50D0] =	vst v1  }
0x28: {  	[tilespmem:$0x50E0] =	vst v1  }
0x29: {  	[tilespmem:$0x50F0] =	vst v1  }
0x2a: {  	[tilespmem:$0x5100] =	vst v1  }
0x2b: {  	[tilespmem:$0x5110] =	vst v1  }
0x2c: {  	[tilespmem:$0x5120] =	vst v1  }
0x2d: {  	[tilespmem:$0x5130] =	vst v1  }
0x2e: {  	[tilespmem:$0x5140] =	vst v1  }
0x2f: {  	[tilespmem:$0x5150] =	vst v1  }
0x30: {  	[tilespmem:$0x5160] =	vst v1  }
0x31: {  	[tilespmem:$0x5170] =	vst v1  }
0x32: {  	[tilespmem:$0x5180] =	vst v1  }
0x33: {  	[tilespmem:$0x5190] =	vst v1  }
0x34: {  	[tilespmem:$0x51A0] =	vst v1  }
0x35: {  	[tilespmem:$0x51B0] =	vst v1  }
0x36: {  	[tilespmem:$0x51C0] =	vst v1  }
0x37: {  	[tilespmem:$0x51D0] =	vst v1  }
0x38: {  	[tilespmem:$0x51E0] =	vst v1  }
0x39: {  	[tilespmem:$0x51F0] =	vst v1  }
0x3a: {  	[tilespmem:$0x5200] =	vst v1  }
0x3b: {  	[tilespmem:$0x5210] =	vst v1  }
0x3c: {  	[tilespmem:$0x5220] =	vst v1  }
0x3d: {  	[tilespmem:$0x5230] =	vst v1  }
0x3e: {  	[tilespmem:$0x5240] =	vst v1  }
0x3f: {  	[tilespmem:$0x5250] =	vst v1  }
0x40: {  	[tilespmem:$0x5260] =	vst v1  }
0x41: {  	[tilespmem:$0x5270] =	vst v1  }
0x42: {  	[tilespmem:$0x5280] =	vst v1  }
0x43: {  	[tilespmem:$0x5290] =	vst v1  }
0x44: {  	[tilespmem:$0x52A0] =	vst v1  }
0x45: {  	[tilespmem:$0x52B0] =	vst v1  }
0x46: {  	[tilespmem:$0x52C0] =	vst v1  }
0x47: {  	[tilespmem:$0x52D0] =	vst v1  }
0x48: {  	[tilespmem:$0x52E0] =	vst v1  }
0x49: {  	[tilespmem:$0x52F0] =	vst v1  }
0x4a: {  	[spmem:s7] =	stream.linear.scatter [tilespmem:s14], [sflag:$0x3], $0x280, $0x38;
	[tilespmem:$0x5800] =	vst v63  }
0x4b: {  	_ =	swait.ge [sflag:s12], $0x280  }
0x4c: {  	[sflag:s12] =	ssyncset.done $0x0  }
0x4d: {  	[sflag:s12] =	ssyncadd.s32 $0xFFFFFD80  }
0x4e: {  	[spmem:s8] =	stream.linear.scatter [tilespmem:s14], [sflag:$0x3], $0x280, $0x38;
	[tilespmem:$0x5800] =	vst v63  }
0x4f: {  	_ =	swait.ge [sflag:s12], $0x280  }
0x50: {  	[sflag:s12] =	ssyncset.done $0x0  }
0x51: {  	[sflag:s12] =	ssyncadd.s32 $0xFFFFFD80  }
0x52: {  	s24 =	simm.s32 $0x0;
	[bflag:$0x0] =	sbarrier.arrive $0xFFFF  }
0x53: {  	[spmem:s2] =	stream.indirect.scatter.add.f32 [tilespmem:s16], [sflag:$0x1], $0x1, s24, s15, $0xb8;
	[tilespmem:$0x5800] =	vst v63  }
0x54: {  	s25 =	simm.s32 $0x2800;
	s24 =	simm.s32 $0x200  }
.LBB2_2:
0x55: {  	[spmem:s3] =	stream.indirect.scatter.add.f32 [tilespmem:s16], [sflag:$0x2], $0x1, s25, s15, $0xb8;
	[tilespmem:$0x5800] =	vst v63  }
0x56: {  	s25 =	smov.u32 s24;
	p0 =	sne.s32 s24, $0x9E00  }
.Ltmp0:
0x57: {  	s24 =	sadd.s32 $0x200, s24;
	(pc) =	sbr.rel @p0 .LBB2_2-.Ltmp0, $4  }
0x58: {  	_ = 	snop  }
0x59: {  	s25 =	sshra.s32 s25, $0x2  }
0x5a: {  	[spmem:s2] =	stream.indirect.scatter.add.f32 [tilespmem:s16], [sflag:$0x1], $0x1, s25, s15, $0xb8;
	[tilespmem:$0x5800] =	vst v63  }
0x5b: {  	s25 =	sadd.s32 $0x2800, s25  }
0x5c: {  	[spmem:s3] =	stream.indirect.scatter.add.f32 [tilespmem:s16], [sflag:$0x2], $0x1, s25, s15, $0xb8;
	[tilespmem:$0x5800] =	vst v63  }
0x5d: {  	_ =	swait.ge [sflag:s17], $0x7D  }
0x5e: {  	[sflag:s17] =	ssyncset.done $0x0  }
0x5f: {  	[sflag:s17] =	ssyncadd.s32 $0xFFFFFF83  }
0x60: {  	_ =	swait.ge [sflag:s18], $0x7D  }
0x61: {  	s24 =	simm.s32 $0x4F;
	[sflag:s18] =	ssyncset.done $0x0  }
.LBB2_4:
0x62: {  	p0 =	sne.s32 s24, $0x1;
	s24 =	sadd.s32 $0xFFFFFFFF, s24;
	[sflag:s18] =	ssyncadd.s32 $0xFFFFFF83  }
.Ltmp1:
0x63: {  	_ =	swait.ge [sflag:s17], $0x7D;
	(pc) =	sbr.rel @p0 .LBB2_4-.Ltmp1, $4  }
0x64: {  	[sflag:s17] =	ssyncset.done $0x0  }
0x65: {  	[sflag:s17] =	ssyncadd.s32 $0xFFFFFF83  }
0x66: {  	_ =	swait.ge [sflag:s18], $0x7D  }
0x67: {  	[sflag:s18] =	ssyncset.done $0x0  }
0x68: {  	[sflag:s18] =	ssyncadd.s32 $0xFFFFFF83  }
0x69: {  	[bflag:$0x0] =	sbarrier.arrive $0xFFFF  }
0x6a: {  	[hbm:s9@s21], [sflag:s19] =	dma.strided [spmem:s20@s22], $0x50, s17, $0x10   }
0x6b: {  	s23 =	sadd.s32 $0x1, s23;
	_ =	swait.ge [sflag:s12], $0x50  }
0x6c: {  	p0 =	sne.s32 s23, s11;
	[sflag:s12] =	ssyncset.done $0x0  }
.Ltmp2:
0x6d: {  	s24 =	sshrl.u32 s8, $0x3;
	[sflag:s12] =	ssyncadd.s32 $0xFFFFFFB0;
	(pc) =	sbr.rel @p0 .LBB2_1-.Ltmp2, $4  }
0x6e: {  	[hbm:s10@s21], [sflag:s19] =	dma.strided [spmem:s24@s22], $0x50, s17, $0x10   }
0x6f: {  	_ =	swait.ge [sflag:s12], $0x50  }
0x70: {  	[sflag:s12] =	ssyncset.done $0x0  }
0x71: {  	[sflag:s12] =	ssyncadd.s32 $0xFFFFFFB0  }
0x72: {  	_ =	sfence.sel $0x180000  }
0x73: {  	[bflag:$0x0] =	sbarrier.arrive $0xFFFF  }
0x74: {  	p0 =	sne.s32 s1, $0x0;
	_ =	strace $0x90000047  }
0x75: {  	s0 =	sadd.s32 @!p0 $0x100000, s0;
	[bflag:$0x2] =	sbarrier.arrive $0xFFFF  }
0x76: {  	[sflag:s0] =	ssyncadd.tile.s32 @!p0 $0x1;
	_ =	shalt  }
.Lfunc_end2:
_tile_overlayer_lowered:
.L_overlay_start_2:
0x77: {  	(tag) =	ssettag $0x2  }
0x78: {  	s0 =	rddreg [dreg:$0x0];
	s2 =	stileid.u32  }
0x79: {  	s1 =	rddreg [dreg:$0x1];
	p0 =	sne.s32 s2, $0x0  }
0x7a: {  	s3 =	rddreg [dreg:$0x2];
	[bflag:$0x3] =	sbarrier.arrive $0xFFFF;
	s2 =	simm.s32 @!p0 $0x1C03  }
0x7b: {  	[timem:s3], [sflag:s2] =	dma.local @!p0 [hbm:s0], s1  }
0x7c: {  	s0 =	simm.s32 @!p0 $0x3  }
0x7d: {  	_ =	swait.ge @!p0 [sflag:s0], s1  }
0x7e: {  	s1 =	ssub.s32 @!p0 $0x0, s1;
	[sflag:s0] =	ssyncset.done @!p0 $0x0  }
0x7f: {  	[sflag:s0] =	ssyncadd.s32 @!p0 s1  }
0x80: {  	[bflag:$0x3] =	sbarrier.arrive $0xFFFF  }
0x81: {  	_ =	shalt  }

// kernel: kernel.9.cloned.1.call-start
scs
__scs_entry_jumppad:
0x0: {  	(pc) =	sbr.rel $0x88, $3  }
0x1: {  	(tag) =	ssettag $0x0;
	lr =	simm.s32 $0x1  }
0x2: {  	[smem:$0x3F9D] =	sst lr;
	_ =	strace $0xD0000000  }
0x3: {  	_ = 	snop  }
0x4: {  	_ = 	snop  }
0x5: {  	_ = 	snop  }
0x6: {  	_ = 	snop  }
0x7: {  	_ = 	snop  }
__scs_overlays_trampoline_lowered:
0x8: {  	[smem:$0x3FAC] =	sst s0  }
0x9: {  	[smem:$0x3FAD] =	sst s1  }
0xa: {  	[smem:$0x3FAE] =	sst s2  }
0xb: {  	[smem:$0x3FAF] =	sst s3  }
0xc: {  	[smem:$0x3FB0] =	sst s4  }
0xd: {  	[smem:$0x3FB1] =	sst s5  }
0xe: {  	[smem:$0x3FB2] =	sst s6  }
0xf: {  	[smem:$0x3FB3] =	sst s7  }
0x10: {  	[smem:$0x3FB4] =	sst s8  }
0x11: {  	[smem:$0x3FB5] =	sst s9;
	s0 =	simm.s32 @!p0 $0x0  }
0x12: {  	s1 =	sld [smem:$0x3F9B];
	s0 =	simm.s32 @p0 $0x1  }
0x13: {  	[smem:$0x3FB6] =	sst s0;
	s0 =	simm.s32 @!p1 $0x0  }
0x14: {  	s2 =	sld [smem:$0x3F9A];
	s0 =	simm.s32 @p1 $0x1  }
0x15: {  	[smem:$0x3FB7] =	sst s0;
	s0 =	simm.s32 @!p2 $0x0  }
0x16: {  	s3 =	sld [smem:$0x3FDB];
	s0 =	simm.s32 @p2 $0x1  }
0x17: {  	s4 =	simm.s32 $0x1BF5;
	[smem:$0x3FB9] =	sst s0  }
0x18: {  	s0 =	sld [smem:$0x3F9C];
	_ =	swait.ge [sflag:s4], $0x0  }
0x19: {  	s7 =	sld [smem:$0x3F9D]  }
0x1a: {  	s8 =	sadd.s32 $0xFFFFE003, lr  }
0x1b: {  	s9 =	sadd.s32 $0xFFFFFEF7, lr;
	s5 =	simm.s32 $0xFFFFFFFF;
	p2 =	slt.u32 s8, $0xFFFFF086  }
0x1c: {  	p1 =	slt.u32 s9, $0xF7A;
	s5 =	simm.s32 @!p2 $0x0  }
0x1d: {  	s5 =	simm.s32 @p1 $0x1;
	p0 =	seq.s32 s7, s2  }
0x1e: {  	s7 =	smul.u32 @!p0 $0xF7A, s2;
	p2 =	seq.s32 @!p0 s5, $0x0  }
0x1f: {  	s9 =	smul.u32 $0xF7A, s1;
	s8 =	simm.s32 @!p0 $0x1BF5;
	p2 =	por !p2, p0  }
0x20: {  	[sflag:s8] =	ssyncset.s32 @!p0 $0xFFFFF086;
	s6 =	sadd.s32 @!p0 s3, s7;
	s7 =	simm.s32 @!p0 $0x108  }
0x21: {  	s3 =	sadd.s32 s3, s9;
	s6 =	sadd.s32 @!p0 $0x88, s6;
	s7 =	simm.s32 @p2 $0x1082  }
0x22: {  	[simem:s7], [sflag:s8] =	dma.local @!p0 [hbm:s6], $0xF7A  }
0x23: {  	s9 =	sor.u32 $0xD0000000, s2;
	s6 =	simm.s32 $0x108;
	_ =	swait.ge @!p0 [sflag:s8], $0x0  }
0x24: {  	s3 =	sadd.s32 $0x88, s3;
	s6 =	simm.s32 @!p1 $0x1082;
	[sflag:s4] =	ssyncset.s32 $0xFFFFF086  }
0x25: {  	[simem:s6], [sflag:s4] =	dma.local [hbm:s3], $0xF7A  }
0x26: {  	[smem:$0x3F9D] =	sst s1;
	(tag) =	ssettag s2;
	_ =	strace s9  }
0x27: {  	s1 =	sld [smem:$0x3FAD]  }
0x28: {  	s2 =	sld [smem:$0x3FAE]  }
0x29: {  	s4 =	sld [smem:$0x3FB0]  }
0x2a: {  	p0 =	seq.s32 s5, $0x0;
	s5 =	sld [smem:$0x3FB1]  }
0x2b: {  	s6 =	sld [smem:$0x3FB2]  }
0x2c: {  	s7 =	sld [smem:$0x3FB3]  }
0x2d: {  	s3 =	simm.s32 $0x108;
	s8 =	sld [smem:$0x3FB4]  }
0x2e: {  	s3 =	simm.s32 @!p0 $0x1082;
	s9 =	sld [smem:$0x3FB5]  }
0x2f: {  	lr =	sadd.s32 s0, s3;
	s0 =	sld [smem:$0x3FAC]  }
0x30: {  	s3 =	sld [smem:$0x3FAF]  }
0x31: {  	[smem:$0x3FB8] =	sst s10  }
0x32: {  	s10 =	sld [smem:$0x3FB6];
	_ =	sdelay $0x3  }
0x33: {  	p0 =	seq.s32 s10, $0x1;
	s10 =	sld [smem:$0x3FB8];
	_ =	sdelay $0x3  }
0x34: {  	[smem:$0x3FB8] =	sst s10  }
0x35: {  	s10 =	sld [smem:$0x3FB7];
	_ =	sdelay $0x3  }
0x36: {  	p1 =	seq.s32 s10, $0x1;
	s10 =	sld [smem:$0x3FB8];
	_ =	sdelay $0x3  }
0x37: {  	[smem:$0x3FB8] =	sst s10  }
0x38: {  	s10 =	sld [smem:$0x3FB9]  }
0x39: {  	_ = 	snop;
	(pc) =	sbr.ind lr, $3  }
0x3a: {  	_ = 	snop  }
0x3b: {  	_ = 	snop  }
0x3c: {  	p2 =	seq.s32 s10, $0x1;
	s10 =	sld [smem:$0x3FB8]  }
0x3d: {  	_ =	shalt  }
0x3e: {  	_ =	shalt  }
0x3f: {  	_ =	shalt  }
0x40: {  	_ =	shalt  }
0x41: {  	_ =	shalt  }
0x42: {  	_ =	shalt  }
0x43: {  	_ =	shalt  }
0x44: {  	_ =	shalt  }
0x45: {  	_ =	shalt  }
0x46: {  	_ =	shalt  }
0x47: {  	_ =	shalt  }
0x48: {  	_ =	shalt  }
0x49: {  	_ =	shalt  }
0x4a: {  	_ =	shalt  }
0x4b: {  	_ =	shalt  }
0x4c: {  	_ =	shalt  }
0x4d: {  	_ =	shalt  }
0x4e: {  	_ =	shalt  }
0x4f: {  	_ =	shalt  }
0x50: {  	_ =	shalt  }
0x51: {  	_ =	shalt  }
0x52: {  	_ =	shalt  }
0x53: {  	_ =	shalt  }
0x54: {  	_ =	shalt  }
0x55: {  	_ =	shalt  }
0x56: {  	_ =	shalt  }
0x57: {  	_ =	shalt  }
0x58: {  	_ =	shalt  }
0x59: {  	_ =	shalt  }
0x5a: {  	_ =	shalt  }
0x5b: {  	_ =	shalt  }
0x5c: {  	_ =	shalt  }
0x5d: {  	_ =	shalt  }
0x5e: {  	_ =	shalt  }
0x5f: {  	_ =	shalt  }
0x60: {  	_ =	shalt  }
0x61: {  	_ =	shalt  }
0x62: {  	_ =	shalt  }
0x63: {  	_ =	shalt  }
0x64: {  	_ =	shalt  }
0x65: {  	_ =	shalt  }
0x66: {  	_ =	shalt  }
0x67: {  	_ =	shalt  }
0x68: {  	_ =	shalt  }
0x69: {  	_ =	shalt  }
0x6a: {  	_ =	shalt  }
0x6b: {  	_ =	shalt  }
0x6c: {  	_ =	shalt  }
0x6d: {  	_ =	shalt  }
0x6e: {  	_ =	shalt  }
0x6f: {  	_ =	shalt  }
0x70: {  	_ =	shalt  }
0x71: {  	_ =	shalt  }
0x72: {  	_ =	shalt  }
0x73: {  	_ =	shalt  }
0x74: {  	_ =	shalt  }
0x75: {  	_ =	shalt  }
0x76: {  	_ =	shalt  }
0x77: {  	_ =	shalt  }
0x78: {  	_ =	shalt  }
0x79: {  	_ =	shalt  }
0x7a: {  	_ =	shalt  }
0x7b: {  	_ =	shalt  }
0x7c: {  	_ =	shalt  }
0x7d: {  	_ =	shalt  }
0x7e: {  	_ =	shalt  }
0x7f: {  	_ =	shalt  }
0x80: {  	_ =	shalt  }
0x81: {  	_ =	shalt  }
0x82: {  	_ =	shalt  }
0x83: {  	_ =	shalt  }
0x84: {  	_ =	shalt  }
0x85: {  	_ =	shalt  }
0x86: {  	_ =	shalt  }
0x87: {  	_ =	shalt  }
.Lfunc_end0:
.L_simem_size_0:
called_computation.1_lowered:
.L_overlay_start_0:
0x88: {  	s2 =	sld [smem:$0x3FD9]  }
0x89: {  	s3 =	sld [smem:$0x3FFE];
	_ =	sdelay $0x1  }
0x8a: {  	s1 =	srdreg.scid  }
0x8b: {  	s0 =	sand.u32 $0x1, s1  }
0x8c: {  	s17 =	sshll.u32 s0, $0xA;
	s2 =	sadd.s32 s3, s2  }
0x8d: {  	s2 =	sadd.s32 s2, s17  }
0x8e: {  	[smem:$0x3FC4] =	sst s2  }
0x8f: {  	_ = 	snop  }
0x90: {  	s2 =	sld [smem:$0x3FD0];
	(tm) =	ssettm $0x1  }
0x91: {  	s18 =	sld [smem:$0x3FFB];
	_ =	sdelay $0x3  }
0x92: {  	_ =	strace s18  }
0x93: {  	s3 =	sld [smem:$0x3FFC];
	_ =	sdelay $0x3  }
0x94: {  	_ =	strace s3  }
0x95: {  	s3 =	sld [smem:$0x3FFD];
	_ =	sdelay $0x3  }
0x96: {  	_ =	strace s3  }
0x97: {  	_ =	strace $0x8FFFFFFF  }
0x98: {  	s19 =	sld [smem:$0x3FDB];
	_ =	sdelay $0x1  }
0x99: {  	s4 =	simm.s32 $_scs_section_size  }
0x9a: {  	s5 =	simm.s32 $_size__tile_overlayer_lowered;
	s6 =	simm.s32 $_tile_overlayer_lowered  }
0x9b: {  	s22 =	simm.s32 $0x1BFF;
	s21 =	sshll.u32 s6, $0x1;
	s3 =	sadd.s32 s4, s19  }
0x9c: {  	s7 =	simm.s32 $0x0;
	s20 =	sshll.u32 s5, $0x1;
	s5 =	sadd.s32 s21, s3  }
0x9d: {  	[timem:s7], [sflag:s22] =	dma.local [hbm:s5], s20  }
0x9e: {  	_ =	swait.ge [sflag:s22], s20  }
0x9f: {  	s4 =	ssub.s32 $0x0, s20;
	[sflag:s22] =	ssyncset.done $0x0  }
0xa0: {  	[sflag:s22] =	ssyncadd.s32 s4;
	_ =	sdelay $0x1  }
0xa1: {  	s23 =	simm.s32 $0x1B8B  }
0xa2: {  	_ =	swait.ge [sflag:s23], $0x1  }
0xa3: {  	[sflag:s23] =	ssyncset.done $0x0  }
0xa4: {  	s25 =	simm.s32 $0x1B8E;
	s24 =	sld [smem:$0x3FFE];
	[sflag:s23] =	ssyncadd.s32 $0xFFFFFFFF  }
0xa5: {  	s26 =	simm.s32 $execute0_lowered;
	[smem:$0x3FD2] =	sst s25  }
0xa6: {  	s5 =	sshll.u32 s26, $0x1;
	_ =	strace $0x80000049;
	[dreg:$0x1] =	wrdreg $0xFFFFFFFF  }
0xa7: {  	s28 =	simm.s32 $_size_execute0_lowered;
	s3 =	sadd.s32 s3, s5;
	[dreg:$0x0] =	wrdreg $0x0  }
0xa8: {  	s5 =	sshll.u32 s28, $0x1;
	[dreg:$0x2] =	wrdreg s3  }
0xa9: {  	[dreg:$0x3] =	wrdreg s5  }
0xaa: {  	[dreg:$0x4] =	wrdreg $0xC0  }
0xab: {  	_ =	task [dreg:s7], $0x5FFFF  }
0xac: {  	[dreg:$0x1] =	wrdreg $0xFFFFFFFF  }
0xad: {  	[dreg:$0x0] =	wrdreg $0x60  }
0xae: {  	[dreg:$0x2] =	wrdreg s2  }
0xaf: {  	[dreg:$0x3] =	wrdreg s24  }
0xb0: {  	[dreg:$0x4] =	wrdreg $0xB5400  }
0xb1: {  	[dreg:$0x5] =	wrdreg $0x9  }
0xb2: {  	_ =	task.clear_ibuf [dreg:s7], $0x6FFFF;
	_ =	strace $0x90000049  }
0xb3: {  	s29 =	simm.s32 $0x9;
	_ =	strace $0x8000004B  }
0xb4: {  	_ =	swait.ge [sflag:s29], $0x1  }
0xb5: {  	[sflag:s29] =	ssyncadd.s32 $0xFFFFFFFF  }
0xb6: {  	_ =	strace $0x9000004B  }
0xb7: {  	_ =	sfence  }
0xb8: {  	s30 =	sld [smem:$0x0];
	_ =	sdelay $0x2  }
0xb9: {  	s31 =	sshll.u32 s1, $0xD;
	s1 =	sshrl.u32 s1, $0x2  }
0xba: {  	s3 =	sand.u32 $0x4000, s31;
	s1 =	sadd.s32 s1, s30  }
0xbb: {  	s0 =	sor.u32 s3, s0;
	s1 =	sshll.u32 s1, $0x11  }
0xbc: {  	s0 =	sor.u32 s1, s0  }
0xbd: {  	s0 =	sadd.s32 $0x8F2B, s0  }
0xbe: {  	[sflag:s0] =	ssyncadd.remote.s32 $0x1  }
0xbf: {  	_ =	sfence.sel $0xFFFF  }
0xc0: {  	[dreg:$0x0] =	wrdreg $0xFFFFFFFF;
	(pc) =	sbr.abs _section_cstart, $3  }
0xc1: {  	[dreg:$0x1] =	wrdreg $0xFFFFFFFF  }
0xc2: {  	_ =	task.clear_ibuf [dreg:s7], $0x2FFFF;
	_ =	strace $0x9FFFFFFF  }
0xc3: {  	(tm) =	ssettm $0x7FFFFFFF  }
tec
execute0_lowered:
.L_overlay_start_1:
0x0: {  	(tag) =	ssettag $0x1  }
0x1: {  	s1 =	srdreg.scid  }
0x2: {  	s0 =	stileid.u32;
	s2 =	rddreg [dreg:$0x0]  }
0x3: {  	s6 =	rddreg [dreg:$0x1];
	s4 =	simm.s32 $0x0;
	s18 =	simm.s32 $0x64  }
0x4: {  	s19 =	simm.s32 $0x5140;
	s20 =	simm.s32 $0x1;
	s21 =	simm.s32 $0x68  }
0x5: {  	s22 =	simm.s32 $0x8340;
	s23 =	simm.s32 $0x2;
	s24 =	simm.s32 $0x2908  }
0x6: {  	s28 =	simm.s32 $0xD0;
	s29 =	simm.s32 $0x4;
	s30 =	simm.s32 $0x0  }
0x7: {  	s1 =	sand.u32 $0x1, s1;
	s3 =	sshll.u32 s0, $0x1;
	s9 =	smul.u32 $0x14000, s0  }
0x8: {  	[smem:$0x7FF] =	sst s4;
	s10 =	smul.u32 $0x50000, s0;
	s12 =	sshll.u32 s0, $0x6  }
0x9: {  	s3 =	sor.u32 s1, s3;
	s7 =	smul.u32 $0x140000, s1;
	s1 =	ssub.s32 $0x2, s1  }
0xa: {  	s12 =	sor.u32 $0x1C05, s12;
	s5 =	smul.u32 $0x28A0, s3;
	s3 =	rddreg [dreg:$0x2]  }
0xb: {  	_ =	strace $0x8000004A;
	s26 =	sshrl.u32 s1, $0x1;
	s10 =	sshrl.u32 s10, $0x2  }
0xc: {  	s25 =	sadd.s32 s9, s7;
	s1 =	ssub.s32 s1, s26;
	s13 =	sadd.s32 s10, s3  }
0xd: {  	s10 =	simm.s32 $0x5;
	s26 =	simm.s32 $0x3;
	s5 =	sshrl.u32 s5, $0x3  }
0xe: {  	s7 =	sshrl.u32 s25, $0x3;
	s25 =	sadd.s32 s9, s3;
	s9 =	smax.u32 s1, $0x1  }
0xf: {  	s31 =	sadd.s32 $0x4000, s13;
	s15 =	sadd.s32 $0x8000, s13;
	s16 =	sadd.s32 $0xC000, s13  }
.Ltmp0:
0x10: {  	s17 =	sadd.s32 $0x10000, s13;
	s13 =	sshrl.u32 s13, $0x3;
	(pc) =	sbr.rel .LBB2_1-.Ltmp0, $4  }
0x11: {  	s8 =	sadd.s32 s5, s6;
	s5 =	sadd.s32 $0x1E00, s6;
	s11 =	sadd.s32 s7, s6  }
0x12: {  	s14 =	sshrl.u32 s31, $0x3;
	s15 =	sshrl.u32 s15, $0x3;
	s16 =	sshrl.u32 s16, $0x3  }
0x13: {  	s17 =	sshrl.u32 s17, $0x3;
	s25 =	sshrl.u32 s25, $0x3;
	s6 =	sadd.s32 $0x3200, s8  }
0x14: {  	s7 =	sadd.s32 $0xD480, s8;
	s8 =	sadd.s32 $0x17800, s11;
	s11 =	simm.s32 $0x28A0  }
.LBB2_4:
0x15: {  	_ =	swait.ge [sflag:s29], $0x3200  }
0x16: {  	s30 =	sadd.s32 $0x1, s30;
	[sflag:s29] =	ssyncset.done $0x0  }
0x17: {  	p0 =	sne.s32 s30, s9;
	[sflag:s29] =	ssyncadd.s32 $0xFFFFCE00  }
.Ltmp1:
0x18: {  	[bflag:$0x0] =	sbarrier.arrive $0xFFFF;
	(pc) =	sbr.rel @!p0 .LBB2_5-.Ltmp1, $4  }
0x19: {  	[hbm:s8], [sflag:s12] =	dma.local [spmem:s25], $0x2800  }
0x1a: {  	_ =	swait.ge [sflag:s10], $0x2800  }
0x1b: {  	[sflag:s10] =	ssyncset.done $0x0  }
0x1c: {  	[sflag:s10] =	ssyncadd.s32 $0xFFFFD800  }
.LBB2_1:
0x1d: {  	[tilespmem:s4], [sflag:$0x5] =	stream.linear.gather [hbm4b:s6+s4], $0x28A0, $0x38;
	[tilespmem:$0x1F540] =	vst v63  }
0x1e: {  	_ =	swait.ge [sflag:s10], $0x28A0  }
0x1f: {  	[sflag:s10] =	ssyncset.done $0x0  }
0x20: {  	[sflag:s10] =	ssyncadd.s32 $0xFFFFD760  }
0x21: {  	[tilespmem:s11], [sflag:$0x5] =	stream.linear.gather [hbm4b:s7+s4], $0x28A0, $0x38;
	[tilespmem:$0x1F540] =	vst v63  }
0x22: {  	_ =	swait.ge [sflag:s10], $0x28A0  }
0x23: {  	[sflag:s10] =	ssyncset.done $0x0  }
0x24: {  	[sflag:s10] =	ssyncadd.s32 $0xFFFFD760  }
0x25: {  	[spmem:s13], [sflag:s12] =	dma.local [hbm:s5], $0x800  }
0x26: {  	_ =	swait.ge [sflag:s10], $0x800  }
0x27: {  	[sflag:s10] =	ssyncset.done $0x0  }
0x28: {  	[sflag:s10] =	ssyncadd.s32 $0xFFFFF800  }
0x29: {  	[spmem:s14], [sflag:s12] =	dma.local [hbm:s5], $0x800  }
0x2a: {  	_ =	swait.ge [sflag:s10], $0x800  }
0x2b: {  	[sflag:s10] =	ssyncset.done $0x0  }
0x2c: {  	[sflag:s10] =	ssyncadd.s32 $0xFFFFF800  }
0x2d: {  	[spmem:s15], [sflag:s12] =	dma.local [hbm:s5], $0x800  }
0x2e: {  	_ =	swait.ge [sflag:s10], $0x800  }
0x2f: {  	[sflag:s10] =	ssyncset.done $0x0  }
0x30: {  	[sflag:s10] =	ssyncadd.s32 $0xFFFFF800  }
0x31: {  	[spmem:s16], [sflag:s12] =	dma.local [hbm:s5], $0x800  }
0x32: {  	_ =	swait.ge [sflag:s10], $0x800  }
0x33: {  	[sflag:s10] =	ssyncset.done $0x0  }
0x34: {  	[sflag:s10] =	ssyncadd.s32 $0xFFFFF800  }
0x35: {  	[spmem:s17], [sflag:s12] =	dma.local [hbm:s5], $0x800  }
0x36: {  	_ =	swait.ge [sflag:s10], $0x800  }
0x37: {  	[sflag:s10] =	ssyncset.done $0x0  }
0x38: {  	[sflag:s10] =	ssyncadd.s32 $0xFFFFF800  }
0x39: {  	[bflag:$0x0] =	sbarrier.arrive $0xFFFF  }
0x3a: {  	[tilespmem:s19], [sflag:$0x1] =	stream.indirect.gather [hbm4b:s2+s18], $0x80, s4, s18, $0xb8;
	[tilespmem:$0x1F540] =	vst v63  }
0x3b: {  	_ =	swait.ge [sflag:s20], $0x3200  }
0x3c: {  	[sflag:s20] =	ssyncset.done $0x0  }
0x3d: {  	[sflag:s20] =	ssyncadd.s32 $0xFFFFCE00  }
0x3e: {  	[spmem:s3] =	stream.indirect.scatter.add.f32 [tilespmem:s19], [sflag:$0x3], $0x80, s11, s18, $0xb8;
	[tilespmem:$0x1F540] =	vst v63  }
0x3f: {  	_ = 	snop  }
0x40: {  	[tilespmem:s22], [sflag:$0x2] =	stream.indirect.gather [hbm4b:s2+s18], $0x80, s21, s18, $0xb8;
	[tilespmem:$0x1F540] =	vst v63  }
0x41: {  	_ =	swait.ge [sflag:s23], $0x3200  }
0x42: {  	[sflag:s23] =	ssyncset.done $0x0  }
0x43: {  	[sflag:s23] =	ssyncadd.s32 $0xFFFFCE00  }
0x44: {  	[spmem:s3] =	stream.indirect.scatter.add.f32 [tilespmem:s22], [sflag:$0x4], $0x80, s24, s18, $0xb8;
	[tilespmem:$0x1F540] =	vst v63  }
0x45: {  	_ =	swait.ge [sflag:s26], $0x3200  }
0x46: {  	[sflag:s26] =	ssyncset.done $0x0  }
0x47: {  	s31 =	simm.s32 $0xFFFF6400;
	[sflag:s26] =	ssyncadd.s32 $0xFFFFCE00  }
0x48: {  	[tilespmem:s19], [sflag:$0x1] =	stream.indirect.gather [hbm4b:s2+s18], $0x80, s28, s18, $0xb8;
	[tilespmem:$0x1F540] =	vst v63  }
.LBB2_2:
0x49: {  	_ =	swait.ge [sflag:s20], $0x3200  }
0x4a: {  	s1 =	sshra.s32 s31, $0x2;
	[sflag:s20] =	ssyncset.done $0x0  }
0x4b: {  	s0 =	sadd.s32 $0x5070, s1;
	[sflag:s20] =	ssyncadd.s32 $0xFFFFCE00  }
0x4c: {  	[spmem:s3] =	stream.indirect.scatter.add.f32 [tilespmem:s19], [sflag:$0x3], $0x80, s0, s18, $0xb8;
	[tilespmem:$0x1F540] =	vst v63  }
0x4d: {  	_ =	swait.ge [sflag:s29], $0x3200  }
0x4e: {  	[sflag:s29] =	ssyncset.done $0x0  }
0x4f: {  	s0 =	sadd.s32 $0x2838, s1;
	[sflag:s29] =	ssyncadd.s32 $0xFFFFCE00  }
0x50: {  	[tilespmem:s22], [sflag:$0x2] =	stream.indirect.gather [hbm4b:s2+s18], $0x80, s0, s18, $0xb8;
	[tilespmem:$0x1F540] =	vst v63  }
0x51: {  	_ =	swait.ge [sflag:s23], $0x3200  }
0x52: {  	p0 =	seq.s32 s31, $0x0;
	[sflag:s23] =	ssyncset.done $0x0  }
.Ltmp2:
0x53: {  	s0 =	sadd.s32 $0x50D8, s1;
	[sflag:s23] =	ssyncadd.s32 $0xFFFFCE00;
	(pc) =	sbr.rel @p0 .LBB2_4-.Ltmp2, $4  }
0x54: {  	[spmem:s3] =	stream.indirect.scatter.add.f32 [tilespmem:s22], [sflag:$0x4], $0x80, s0, s18, $0xb8;
	[tilespmem:$0x1F540] =	vst v63  }
0x55: {  	_ =	swait.ge [sflag:s26], $0x3200  }
0x56: {  	[sflag:s26] =	ssyncset.done $0x0  }
0x57: {  	[sflag:s26] =	ssyncadd.s32 $0xFFFFCE00  }
.Ltmp3:
0x58: {  	(pc) =	sbr.rel .LBB2_2-.Ltmp3, $3  }
0x59: {  	_ =	sdelay $0x1  }
0x5a: {  	s0 =	sadd.s32 $0x28A0, s1;
	s31 =	sadd.s32 $0x340, s31  }
0x5b: {  	[tilespmem:s19], [sflag:$0x1] =	stream.indirect.gather [hbm4b:s2+s18], $0x80, s0, s18, $0xb8;
	[tilespmem:$0x1F540] =	vst v63  }
.LBB2_5:
0x5c: {  	_ =	sfence.sel $0x180000  }
0x5d: {  	[bflag:$0x0] =	sbarrier.arrive $0xFFFF  }
0x5e: {  	_ =	strace $0x9000004A  }
0x5f: {  	s0 =	stileid.u32;
	[bflag:$0x2] =	sbarrier.arrive $0xFFFF  }
0x60: {  	p0 =	sne.s32 s0, $0x0;
	s0 =	rddreg [dreg:$0x3]  }
0x61: {  	s0 =	sadd.s32 @!p0 $0x100000, s0  }
0x62: {  	[sflag:s0] =	ssyncadd.tile.s32 @!p0 $0x1;
	_ =	shalt  }
.Lfunc_end2:
_tile_overlayer_lowered:
.L_overlay_start_2:
0x63: {  	(tag) =	ssettag $0x2  }
0x64: {  	s0 =	rddreg [dreg:$0x0];
	s2 =	stileid.u32  }
0x65: {  	s1 =	rddreg [dreg:$0x1];
	p0 =	sne.s32 s2, $0x0  }
0x66: {  	s3 =	rddreg [dreg:$0x2];
	[bflag:$0x3] =	sbarrier.arrive $0xFFFF;
	s2 =	simm.s32 @!p0 $0x1C05  }
0x67: {  	[timem:s3], [sflag:s2] =	dma.local @!p0 [hbm:s0], s1  }
0x68: {  	s0 =	simm.s32 @!p0 $0x5  }
0x69: {  	_ =	swait.ge @!p0 [sflag:s0], s1  }
0x6a: {  	s1 =	ssub.s32 @!p0 $0x0, s1;
	[sflag:s0] =	ssyncset.done @!p0 $0x0  }
0x6b: {  	[sflag:s0] =	ssyncadd.s32 @!p0 s1  }
0x6c: {  	[bflag:$0x3] =	sbarrier.arrive $0xFFFF  }
0x6d: {  	_ =	shalt  }

</sc_bundles>
